<compile_context>
chip_gen: v7x
topology: tpu7x:2x2x1
jax: 0.10.2.dev20260603
libtpu: 0.0.44.dev20260713+nightly
codegen_flags: <defaults>
</compile_context>

<pallas_src>
import functools

import jax
import jax.numpy as jnp
from jax import lax
from jax.experimental import pallas as pl
from jax.experimental.pallas import tpu as pltpu
from jax.experimental.pallas import tpu_sc as plsc

_B = 16
_D = 256
_HW = 1024
_K = 2048
_KC = 256
_NKC = _K // _KC
_BETA = 0.25

_NC = 2
_NS = 16
_NW = _NC * _NS
_TOK = _B * _HW
_PER_W = _TOK // _NW
_CH = 128
_NCH = _PER_W // _CH


def _prep_body(eT_ref, eTn_ref, e2_ref):
    eT = eT_ref[...]
    eTn_ref[...] = -2.0 * eT
    e2_ref[...] = jnp.sum(eT * eT, axis=1, keepdims=True)


def _prep_call(embT, interpret=False):
    return pl.pallas_call(
        _prep_body,
        out_shape=[jax.ShapeDtypeStruct((_K, _D), jnp.float32),
                   jax.ShapeDtypeStruct((_K, 1), jnp.float32)],
        interpret=interpret,
    )(embT)


def _argmin_body(z_ref, eTn_ref, e2f_ref, idx_ref):
    z = z_ref[0]
    z2 = jnp.sum(z * z, axis=0, keepdims=True)

    sub_io = lax.broadcasted_iota(jnp.int32, (8, 1), 0)

    def step(k, carry):
        vmin8, varg8 = carry
        e = eTn_ref[pl.ds(k * _KC, _KC), :]
        s2 = lax.dot_general(e, z, (((1,), (0,)), ((), ())),
                             preferred_element_type=jnp.float32)
        e2 = e2f_ref[pl.ds(k * _KC, _KC), :]
        base = k * _KC
        for r in range(_KC // 8):
            sc = (z2 + s2[8 * r:8 * r + 8, :]) + e2[8 * r:8 * r + 8, :]
            idv = sub_io + (base + 8 * r)
            cmp = sc < vmin8
            vmin8 = jnp.where(cmp, sc, vmin8)
            varg8 = jnp.where(cmp, idv, varg8)
        return vmin8, varg8

    init = (jnp.full((8, _HW), jnp.inf, jnp.float32),
            jnp.zeros((8, _HW), jnp.int32))
    vmin8, varg8 = lax.fori_loop(0, _NKC, step, init)

    v, g = vmin8, varg8
    for h in (4, 2, 1):
        va, vb = v[:h, :], v[h:2 * h, :]
        ga, gb = g[:h, :], g[h:2 * h, :]
        tb = (vb < va) | ((vb == va) & (gb < ga))
        v = jnp.where(tb, vb, va)
        g = jnp.where(tb, gb, ga)
    idx_ref[0] = g


def _argmin_call(z3, eTn, e2, interpret=False):
    return pl.pallas_call(
        _argmin_body,
        grid=(_B,),
        in_specs=[pl.BlockSpec((1, _D, _HW), lambda b: (b, 0, 0)),
                  pl.BlockSpec((_K, _D), lambda b: (0, 0)),
                  pl.BlockSpec((_K, 1), lambda b: (0, 0))],
        out_specs=pl.BlockSpec((1, 1, _HW), lambda b: (b, 0, 0)),
        out_shape=jax.ShapeDtypeStruct((_B, 1, _HW), jnp.int32),
        interpret=interpret,
    )(z3, eTn, e2)


def _gather_call(embT, idx_flat):
    mesh = plsc.VectorSubcoreMesh(core_axis_name="c", subcore_axis_name="s")

    @functools.partial(
        pl.kernel, mesh=mesh,
        out_type=jax.ShapeDtypeStruct((_TOK, _D), jnp.float32),
        scratch_types=[pltpu.VMEM((_CH,), jnp.int32),
                       pltpu.VMEM((_CH, _D), jnp.float32),
                       pltpu.SemaphoreType.DMA],
    )
    def k(embT_hbm, idx_hbm, out_hbm, idx_v, rows_v, sem):
        wid = lax.axis_index("s") * _NC + lax.axis_index("c")
        base = wid * _PER_W

        def chunk(c, carry):
            off = base + c * _CH
            pltpu.sync_copy(idx_hbm.at[pl.ds(off, _CH)], idx_v)
            pltpu.async_copy(embT_hbm.at[idx_v], rows_v, sem).wait()
            pltpu.sync_copy(rows_v, out_hbm.at[pl.ds(off, _CH)])
            return carry

        lax.fori_loop(0, _NCH, chunk, 0)

    return k(embT, idx_flat)


def _finish_body(zq_ref, z_ref, out_ref, loss_ref):
    b = pl.program_id(0)
    zqT = zq_ref[0].T
    out_ref[0] = zqT
    d = z_ref[0] - zqT
    part = jnp.full((1, 1), jnp.sum(d * d))

    @pl.when(b == 0)
    def _():
        loss_ref[...] = part

    @pl.when(b > 0)
    def _():
        loss_ref[...] = loss_ref[...] + part

    @pl.when(b == _B - 1)
    def _():
        loss_ref[...] = loss_ref[...] * (_BETA / (_B * _D * _HW))


def _finish_call(zq_tok, z3, interpret=False):
    return pl.pallas_call(
        _finish_body,
        grid=(_B,),
        in_specs=[pl.BlockSpec((1, _HW, _D), lambda b: (b, 0, 0)),
                  pl.BlockSpec((1, _D, _HW), lambda b: (b, 0, 0))],
        out_specs=[pl.BlockSpec((1, _D, _HW), lambda b: (b, 0, 0)),
                   pl.BlockSpec((1, 1), lambda b: (0, 0))],
        out_shape=[jax.ShapeDtypeStruct((_B, _D, _HW), jnp.float32),
                   jax.ShapeDtypeStruct((1, 1), jnp.float32)],
        interpret=interpret,
    )(zq_tok, z3)


def kernel(z_e, embed):
    B, D, H, W = z_e.shape
    z3 = z_e.reshape(B, D, H * W)
    embT = embed.T
    eTn, e2 = _prep_call(embT)
    idx3 = _argmin_call(z3, eTn, e2)
    zq_tok = _gather_call(embT, idx3.reshape(_TOK)).reshape(_B, _HW, _D)
    zq, loss = _finish_call(zq_tok, z3)
    return (zq.reshape(B, D, H, W), idx3.reshape(B, H, W), loss[0, 0])

# --- scband reference (transcript-rebuilt; emitter-appended) ---
"""Pipeline reference for scband-vector-quantizer-ema-88149908783297 (READ-ONLY COPY).

The authoritative reference and input builder live on the scoring server;
editing this copy changes nothing except your own understanding.
"""

import jax, jax.numpy as jnp
import numpy as np

N_EMBED = 2048
EMBED_DIM = 256
BETA = 0.25

def setup_inputs(seed: int = 0) -> dict:
    key = jax.random.key(seed)
    k1, k2 = jax.random.split(key)
    z_e = jax.random.normal(k1, (16, EMBED_DIM, 32, 32), dtype=jnp.float32)
    embed = jax.random.normal(k2, (EMBED_DIM, N_EMBED), dtype=jnp.float32)
    return {"z_e": z_e, "embed": embed}

def reference(z_e, embed):
    # eval-mode forward of VectorQuantizerEMA (EMA buffer updates only run in training)
    B, D, H, W = z_e.shape
    ze = jnp.transpose(z_e, (0, 2, 3, 1)).reshape(-1, D)
    dist = (jnp.sum(ze * ze, axis=1, keepdims=True)
            - 2.0 * (ze @ embed)
            + jnp.sum(embed * embed, axis=0, keepdims=True))
    idx = jnp.argmin(dist, axis=1)
    # z_q = embed[:, idx].T reshaped to (B, H, W, D) then permuted to (B, D, H, W)
    z_q = jnp.take(embed, idx, axis=1).T.reshape(B, H, W, D)
    z_q = jnp.transpose(z_q, (0, 3, 1, 2))
    commit_loss = BETA * jnp.mean((jax.lax.stop_gradient(z_e) - z_q) ** 2)
    z_q_st = z_e + jax.lax.stop_gradient(z_q - z_e)
    return (z_q_st, idx.reshape(B, H, W), commit_loss)

if __name__ == "__main__":
    import jax
    _d = setup_inputs()
    print(jax.jit(kernel)(*tuple(_d.values())))

</pallas_src>

<mosaic_0001>
#map = affine_map<(d0, d1) -> (0, 0)>
#map1 = affine_map<(d0, d1) -> (0)>
module attributes {stable_mosaic.version = 14 : i64} {
  func.func @k(%arg0: i32, %arg1: i32, %arg2: memref<2048x256xf32, #tpu.memory_space<hbm>>, %arg3: memref<16384xi32, #tpu.memory_space<hbm>>, %arg4: memref<16384x256xf32, #tpu.memory_space<hbm>>, %arg5: memref<128xi32, #tpu.memory_space<vmem>>, %arg6: memref<128x256xf32, #tpu.memory_space<vmem>>, %arg7: memref<!tpu.dma_semaphore, #tpu.memory_space<semaphore_mem>>) attributes {dimension_semantics = [#tpu.dimension_semantics<core_parallel>, #tpu.dimension_semantics<subcore_parallel>], iteration_bounds = array<i64: 2, 16>, scalar_prefetch = 0 : i64, scratch_operands = 3 : i64, tpu.core_type = #tpu.core_type<sc_vector_subcore>, window_params = [{transform_indices = #map}, {transform_indices = #map1}, {transform_indices = #map}]} {
    %mul3A = arith.constant 2 : i32
    %mul3A_0 = arith.muli %arg1, %mul3A : i32
    %add3A = arith.addi %mul3A_0, %arg0 : i32
    %mul3A_1 = arith.constant 512 : i32
    %mul3A_2 = arith.muli %add3A, %mul3A_1 : i32
    %scan3A = arith.constant 0 : i32
    %scan3A_3 = arith.constant 0 : i32
    %scan3A_4 = arith.constant 4 : i32
    %scan3A_5 = arith.addi %scan3A_3, %scan3A_4 : i32
    %scan3A_6 = arith.constant 1 : i32
    scf.for %scan3A_8 = %scan3A_3 to %scan3A_5 step %scan3A_6  : i32 {
      %mul3A_9 = arith.constant 128 : i32
      %mul3A_10 = arith.muli %scan3A_8, %mul3A_9 : i32
      %add3A_11 = arith.addi %mul3A_2, %mul3A_10 : i32
      "tpu.region"() ({
        %run_scoped3A = tpu.sem_alloc : memref<!tpu.dma_semaphore, #tpu.memory_space<semaphore_mem>>
        %dma_start3A_16 = tpu.memref_slice %arg3[%add3A_11] : memref<16384xi32, #tpu.memory_space<hbm>> -> memref<128xi32, #tpu.memory_space<hbm>>
        %dma_start3A_17 = tpu.memref_slice %arg3[%add3A_11] : memref<16384xi32, #tpu.memory_space<hbm>> -> memref<128xi32, #tpu.memory_space<hbm>>
        tpu.enqueue_dma source(%dma_start3A_17 : memref<128xi32, #tpu.memory_space<hbm>>) target(%arg5 : memref<128xi32, #tpu.memory_space<vmem>>) target_semaphore(%run_scoped3A : memref<!tpu.dma_semaphore, #tpu.memory_space<semaphore_mem>>)
        %dma_wait3A_18 = tpu.memref_slice %arg3[%add3A_11] : memref<16384xi32, #tpu.memory_space<hbm>> -> memref<128xi32, #tpu.memory_space<hbm>>
        %dma_wait3A_19 = tpu.memref_slice %arg3[%add3A_11] : memref<16384xi32, #tpu.memory_space<hbm>> -> memref<128xi32, #tpu.memory_space<hbm>>
        tpu.wait_dma2 semaphore(%run_scoped3A : memref<!tpu.dma_semaphore, #tpu.memory_space<semaphore_mem>>) src(%dma_wait3A_19 : memref<128xi32, #tpu.memory_space<hbm>>) dst(%arg5 : memref<128xi32, #tpu.memory_space<vmem>>)
        tpu.yield
      }) : () -> ()
      %dma_start3A = arith.constant 0 : i32
      %dma_start3A_12 = arith.constant 0 : i32
      %dma_start3A_13 = tpu.memref_slice %arg2[%dma_start3A, %dma_start3A_12] : memref<2048x256xf32, #tpu.memory_space<hbm>> -> memref<2048x256xf32, #tpu.memory_space<hbm>>
      tpu.enqueue_indirect_dma source(%dma_start3A_13 : memref<2048x256xf32, #tpu.memory_space<hbm>>) target(%arg6 : memref<128x256xf32, #tpu.memory_space<vmem>>) offsets(%arg5 : memref<128xi32, #tpu.memory_space<vmem>>) semaphore(%arg7 : memref<!tpu.dma_semaphore, #tpu.memory_space<semaphore_mem>>)
      %dma_wait3A = arith.constant 0 : i32
      %dma_wait3A_14 = arith.constant 0 : i32
      %dma_wait3A_15 = tpu.memref_slice %arg2[%dma_wait3A, %dma_wait3A_14] : memref<2048x256xf32, #tpu.memory_space<hbm>> -> memref<2048x256xf32, #tpu.memory_space<hbm>>
      tpu.wait_indirect_dma semaphore(%arg7 : memref<!tpu.dma_semaphore, #tpu.memory_space<semaphore_mem>>) src(%dma_wait3A_15 : memref<2048x256xf32, #tpu.memory_space<hbm>>) dst(%arg6 : memref<128x256xf32, #tpu.memory_space<vmem>>)
      "tpu.region"() ({
        %run_scoped3A = tpu.sem_alloc : memref<!tpu.dma_semaphore, #tpu.memory_space<semaphore_mem>>
        %dma_start3A_16 = arith.constant 0 : i32
        %dma_start3A_17 = tpu.memref_slice %arg4[%add3A_11, %dma_start3A_16] : memref<16384x256xf32, #tpu.memory_space<hbm>> -> memref<128x256xf32, #tpu.memory_space<hbm>>
        %dma_start3A_18 = arith.constant 0 : i32
        %dma_start3A_19 = tpu.memref_slice %arg4[%add3A_11, %dma_start3A_18] : memref<16384x256xf32, #tpu.memory_space<hbm>> -> memref<128x256xf32, #tpu.memory_space<hbm>>
        tpu.enqueue_dma source(%arg6 : memref<128x256xf32, #tpu.memory_space<vmem>>) target(%dma_start3A_19 : memref<128x256xf32, #tpu.memory_space<hbm>>) target_semaphore(%run_scoped3A : memref<!tpu.dma_semaphore, #tpu.memory_space<semaphore_mem>>)
        %dma_wait3A_20 = arith.constant 0 : i32
        %dma_wait3A_21 = tpu.memref_slice %arg4[%add3A_11, %dma_wait3A_20] : memref<16384x256xf32, #tpu.memory_space<hbm>> -> memref<128x256xf32, #tpu.memory_space<hbm>>
        %dma_wait3A_22 = arith.constant 0 : i32
        %dma_wait3A_23 = tpu.memref_slice %arg4[%add3A_11, %dma_wait3A_22] : memref<16384x256xf32, #tpu.memory_space<hbm>> -> memref<128x256xf32, #tpu.memory_space<hbm>>
        tpu.wait_dma2 semaphore(%run_scoped3A : memref<!tpu.dma_semaphore, #tpu.memory_space<semaphore_mem>>) src(%arg6 : memref<128x256xf32, #tpu.memory_space<vmem>>) dst(%dma_wait3A_23 : memref<128x256xf32, #tpu.memory_space<hbm>>)
        tpu.yield
      }) : () -> ()
    }
    %scan3A_7 = arith.constant 4 : i32
    return
  }
}

module attributes {stable_mosaic.version = 14 : i64} {
  func.func @_prep_body(%arg0: memref<2048x256xf32, #tpu.memory_space<vmem>>, %arg1: memref<2048x256xf32, #tpu.memory_space<vmem>>, %arg2: memref<2048x1xf32, #tpu.memory_space<vmem>>) attributes {dimension_semantics = [], scalar_prefetch = 0 : i64, scratch_operands = 0 : i64, tpu.core_type = #tpu.core_type<tc>} {
    %get3A = arith.constant 0 : index
    %get3A_0 = arith.constant 0 : index
    %get3A_1 = vector.load %arg0[%get3A, %get3A_0] : memref<2048x256xf32, #tpu.memory_space<vmem>>, vector<2048x256xf32>
    %mul3A = arith.constant -2.000000e+00 : f32
    %mul3A_2 = vector.broadcast %mul3A : f32 to vector<2048x256xf32>
    %mul3A_3 = arith.mulf %mul3A_2, %get3A_1 : vector<2048x256xf32>
    %swap3A = arith.constant 0 : index
    %swap3A_4 = arith.constant 0 : index
    %swap3A_5 = vector.load %arg1[%swap3A, %swap3A_4] : memref<2048x256xf32, #tpu.memory_space<vmem>>, vector<2048x256xf32>
    tpu.vector_store %arg1[%swap3A, %swap3A_4], %mul3A_3 {strides = array<i32>} : memref<2048x256xf32, #tpu.memory_space<vmem>>, vector<2048x256xf32>,
    %mul3A_6 = arith.mulf %get3A_1, %get3A_1 : vector<2048x256xf32>
    %reduce_sum3A = arith.constant dense<0.000000e+00> : vector<2048xf32>
    %reduce_sum3A_7 = vector.multi_reduction <add>, %mul3A_6, %reduce_sum3A [1] : vector<2048x256xf32> to vector<2048xf32>
    %broadcast_in_dim3A = vector.shape_cast %reduce_sum3A_7 : vector<2048xf32> to vector<2048x1xf32>
    %swap3A_8 = arith.constant 0 : index
    %swap3A_9 = arith.constant 0 : index
    %swap3A_10 = vector.load %arg2[%swap3A_8, %swap3A_9] : memref<2048x1xf32, #tpu.memory_space<vmem>>, vector<2048x1xf32>
    tpu.vector_store %arg2[%swap3A_8, %swap3A_9], %broadcast_in_dim3A {strides = array<i32>} : memref<2048x1xf32, #tpu.memory_space<vmem>>, vector<2048x1xf32>,
    return
  }
}

module attributes {stable_mosaic.version = 14 : i64} {
  func.func @_argmin_body(%arg0: i32, %arg1: memref<1x256x1024xf32, #tpu.memory_space<vmem>>, %arg2: memref<2048x256xf32, #tpu.memory_space<vmem>>, %arg3: memref<2048x1xf32, #tpu.memory_space<vmem>>, %arg4: memref<1x1x1024xi32, #tpu.memory_space<vmem>>) attributes {dimension_semantics = [#tpu.dimension_semantics<arbitrary>], iteration_bounds = array<i64: 16>, scalar_prefetch = 0 : i64, scratch_operands = 0 : i64, tpu.core_type = #tpu.core_type<tc>, window_params = [{transform_indices = @transform_0, window_bounds = array<i64: 1, 256, 1024>}, {pipeline_mode = #tpu.pipeline_mode<synchronous>, transform_indices = @transform_1, window_bounds = array<i64: 2048, 256>}, {pipeline_mode = #tpu.pipeline_mode<synchronous>, transform_indices = @transform_2, window_bounds = array<i64: 2048, 1>}, {transform_indices = @transform_3, window_bounds = array<i64: 1, 1, 1024>}]} {
    %get3A = arith.constant 0 : index
    %get3A_0 = arith.constant 0 : index
    %get3A_1 = arith.constant 0 : index
    %get3A_2 = vector.load %arg1[%get3A, %get3A_0, %get3A_1] : memref<1x256x1024xf32, #tpu.memory_space<vmem>>, vector<1x256x1024xf32>
    %get3A_3 = vector.shape_cast %get3A_2 : vector<1x256x1024xf32> to vector<256x1024xf32>
    %mul3A = arith.mulf %get3A_3, %get3A_3 : vector<256x1024xf32>
    %reduce_sum3A = arith.constant dense<0.000000e+00> : vector<1024xf32>
    %reduce_sum3A_4 = vector.multi_reduction <add>, %mul3A, %reduce_sum3A [0] : vector<256x1024xf32> to vector<1024xf32>
    %broadcast_in_dim3A = vector.shape_cast %reduce_sum3A_4 : vector<1024xf32> to vector<1x1024xf32>
    %iota3A = tpu.iota {dimensions = array<i32: 0>} : vector<8x1xi32>
    %broadcast_in_dim3A_5 = arith.constant 0x7F800000 : f32
    %broadcast_in_dim3A_6 = vector.broadcast %broadcast_in_dim3A_5 : f32 to vector<8x1024xf32>
    %broadcast_in_dim3A_7 = arith.constant 0 : i32
    %broadcast_in_dim3A_8 = vector.broadcast %broadcast_in_dim3A_7 : i32 to vector<8x1024xi32>
    %scan3A = arith.constant 0 : i32
    %scan3A_9 = arith.constant 8 : i32
    %scan3A_10 = arith.addi %scan3A, %scan3A_9 : i32
    %scan3A_11 = arith.constant 1 : i32
    %scan3A_12:2 = scf.for %scan3A_45 = %scan3A to %scan3A_10 step %scan3A_11 iter_args(%scan3A_46 = %broadcast_in_dim3A_6, %scan3A_47 = %broadcast_in_dim3A_8) -> (vector<8x1024xf32>, vector<8x1024xi32>)  : i32 {
      %mul3A_48 = arith.constant 256 : i32
      %mul3A_49 = arith.muli %scan3A_45, %mul3A_48 : i32
      %get3A_50 = arith.index_cast %mul3A_49 : i32 to index
      %get3A_51 = arith.constant 0 : index
      %get3A_52 = vector.load %arg2[%get3A_50, %get3A_51] : memref<2048x256xf32, #tpu.memory_space<vmem>>, vector<256x256xf32>
      %dot_general3A = arith.constant dense<0.000000e+00> : vector<256x1024xf32>
      %dot_general3A_53 = tpu.matmul %get3A_52, %get3A_3, %dot_general3A {dimension_numbers = #tpu.dot_dimension_numbers<[1], [0], [0], [1], [0, 0, 1, 1], [], []>, transpose_lhs_hint = false} : vector<256x256xf32>, vector<256x1024xf32>, vector<256x1024xf32> -> vector<256x1024xf32>
      %mul3A_54 = arith.constant 256 : i32
      %mul3A_55 = arith.muli %scan3A_45, %mul3A_54 : i32
      %get3A_56 = arith.index_cast %mul3A_55 : i32 to index
      %get3A_57 = arith.constant 0 : index
      %get3A_58 = vector.load %arg3[%get3A_56, %get3A_57] : memref<2048x1xf32, #tpu.memory_space<vmem>>, vector<256x1xf32>
      %mul3A_59 = arith.constant 256 : i32
      %mul3A_60 = arith.muli %scan3A_45, %mul3A_59 : i32
      %slice3A_61 = vector.extract_strided_slice %dot_general3A_53 {offsets = [0, 0], sizes = [8, 1024], strides = [1, 1]} : vector<256x1024xf32> to vector<8x1024xf32>
      %add3A = vector.broadcast %broadcast_in_dim3A : vector<1x1024xf32> to vector<8x1024xf32>
      %add3A_62 = arith.addf %add3A, %slice3A_61 : vector<8x1024xf32>
      %slice3A_63 = vector.extract_strided_slice %get3A_58 {offsets = [0, 0], sizes = [8, 1], strides = [1, 1]} : vector<256x1xf32> to vector<8x1xf32>
      %add3A_64 = vector.broadcast %slice3A_63 : vector<8x1xf32> to vector<8x1024xf32>
      %add3A_65 = arith.addf %add3A_62, %add3A_64 : vector<8x1024xf32>
      %add3A_66 = arith.constant 0 : i32
      %add3A_67 = arith.addi %mul3A_60, %add3A_66 : i32
      %add3A_68 = vector.broadcast %add3A_67 : i32 to vector<8x1xi32>
      %add3A_69 = arith.addi %iota3A, %add3A_68 : vector<8x1xi32>
      %lt3A_70 = arith.cmpf olt, %add3A_65, %scan3A_46 : vector<8x1024xf32>
      %select_n3A_71 = arith.select %lt3A_70, %add3A_65, %scan3A_46 : vector<8x1024xi1>, vector<8x1024xf32>
      %broadcast_in_dim3A_72 = vector.shape_cast %add3A_69 : vector<8x1xi32> to vector<8x1xi32>
      %broadcast_in_dim3A_73 = vector.broadcast %broadcast_in_dim3A_72 : vector<8x1xi32> to vector<8x1024xi32>
      %select_n3A_74 = arith.select %lt3A_70, %broadcast_in_dim3A_73, %scan3A_47 : vector<8x1024xi1>, vector<8x1024xi32>
      %slice3A_75 = vector.extract_strided_slice %dot_general3A_53 {offsets = [8, 0], sizes = [8, 1024], strides = [1, 1]} : vector<256x1024xf32> to vector<8x1024xf32>
      %add3A_76 = vector.broadcast %broadcast_in_dim3A : vector<1x1024xf32> to vector<8x1024xf32>
      %add3A_77 = arith.addf %add3A_76, %slice3A_75 : vector<8x1024xf32>
      %slice3A_78 = vector.extract_strided_slice %get3A_58 {offsets = [8, 0], sizes = [8, 1], strides = [1, 1]} : vector<256x1xf32> to vector<8x1xf32>
      %add3A_79 = vector.broadcast %slice3A_78 : vector<8x1xf32> to vector<8x1024xf32>
      %add3A_80 = arith.addf %add3A_77, %add3A_79 : vector<8x1024xf32>
      %add3A_81 = arith.constant 8 : i32
      %add3A_82 = arith.addi %mul3A_60, %add3A_81 : i32
      %add3A_83 = vector.broadcast %add3A_82 : i32 to vector<8x1xi32>
      %add3A_84 = arith.addi %iota3A, %add3A_83 : vector<8x1xi32>
      %lt3A_85 = arith.cmpf olt, %add3A_80, %select_n3A_71 : vector<8x1024xf32>
      %select_n3A_86 = arith.select %lt3A_85, %add3A_80, %select_n3A_71 : vector<8x1024xi1>, vector<8x1024xf32>
      %broadcast_in_dim3A_87 = vector.shape_cast %add3A_84 : vector<8x1xi32> to vector<8x1xi32>
      %broadcast_in_dim3A_88 = vector.broadcast %broadcast_in_dim3A_87 : vector<8x1xi32> to vector<8x1024xi32>
      %select_n3A_89 = arith.select %lt3A_85, %broadcast_in_dim3A_88, %select_n3A_74 : vector<8x1024xi1>, vector<8x1024xi32>
      %slice3A_90 = vector.extract_strided_slice %dot_general3A_53 {offsets = [16, 0], sizes = [8, 1024], strides = [1, 1]} : vector<256x1024xf32> to vector<8x1024xf32>
      %add3A_91 = vector.broadcast %broadcast_in_dim3A : vector<1x1024xf32> to vector<8x1024xf32>
      %add3A_92 = arith.addf %add3A_91, %slice3A_90 : vector<8x1024xf32>
      %slice3A_93 = vector.extract_strided_slice %get3A_58 {offsets = [16, 0], sizes = [8, 1], strides = [1, 1]} : vector<256x1xf32> to vector<8x1xf32>
      %add3A_94 = vector.broadcast %slice3A_93 : vector<8x1xf32> to vector<8x1024xf32>
      %add3A_95 = arith.addf %add3A_92, %add3A_94 : vector<8x1024xf32>
      %add3A_96 = arith.constant 16 : i32
      %add3A_97 = arith.addi %mul3A_60, %add3A_96 : i32
      %add3A_98 = vector.broadcast %add3A_97 : i32 to vector<8x1xi32>
      %add3A_99 = arith.addi %iota3A, %add3A_98 : vector<8x1xi32>
      %lt3A_100 = arith.cmpf olt, %add3A_95, %select_n3A_86 : vector<8x1024xf32>
      %select_n3A_101 = arith.select %lt3A_100, %add3A_95, %select_n3A_86 : vector<8x1024xi1>, vector<8x1024xf32>
      %broadcast_in_dim3A_102 = vector.shape_cast %add3A_99 : vector<8x1xi32> to vector<8x1xi32>
      %broadcast_in_dim3A_103 = vector.broadcast %broadcast_in_dim3A_102 : vector<8x1xi32> to vector<8x1024xi32>
      %select_n3A_104 = arith.select %lt3A_100, %broadcast_in_dim3A_103, %select_n3A_89 : vector<8x1024xi1>, vector<8x1024xi32>
      %slice3A_105 = vector.extract_strided_slice %dot_general3A_53 {offsets = [24, 0], sizes = [8, 1024], strides = [1, 1]} : vector<256x1024xf32> to vector<8x1024xf32>
      %add3A_106 = vector.broadcast %broadcast_in_dim3A : vector<1x1024xf32> to vector<8x1024xf32>
      %add3A_107 = arith.addf %add3A_106, %slice3A_105 : vector<8x1024xf32>
      %slice3A_108 = vector.extract_strided_slice %get3A_58 {offsets = [24, 0], sizes = [8, 1], strides = [1, 1]} : vector<256x1xf32> to vector<8x1xf32>
      %add3A_109 = vector.broadcast %slice3A_108 : vector<8x1xf32> to vector<8x1024xf32>
      %add3A_110 = arith.addf %add3A_107, %add3A_109 : vector<8x1024xf32>
      %add3A_111 = arith.constant 24 : i32
      %add3A_112 = arith.addi %mul3A_60, %add3A_111 : i32
      %add3A_113 = vector.broadcast %add3A_112 : i32 to vector<8x1xi32>
      %add3A_114 = arith.addi %iota3A, %add3A_113 : vector<8x1xi32>
      %lt3A_115 = arith.cmpf olt, %add3A_110, %select_n3A_101 : vector<8x1024xf32>
      %select_n3A_116 = arith.select %lt3A_115, %add3A_110, %select_n3A_101 : vector<8x1024xi1>, vector<8x1024xf32>
      %broadcast_in_dim3A_117 = vector.shape_cast %add3A_114 : vector<8x1xi32> to vector<8x1xi32>
      %broadcast_in_dim3A_118 = vector.broadcast %broadcast_in_dim3A_117 : vector<8x1xi32> to vector<8x1024xi32>
      %select_n3A_119 = arith.select %lt3A_115, %broadcast_in_dim3A_118, %select_n3A_104 : vector<8x1024xi1>, vector<8x1024xi32>
      %slice3A_120 = vector.extract_strided_slice %dot_general3A_53 {offsets = [32, 0], sizes = [8, 1024], strides = [1, 1]} : vector<256x1024xf32> to vector<8x1024xf32>
      %add3A_121 = vector.broadcast %broadcast_in_dim3A : vector<1x1024xf32> to vector<8x1024xf32>
      %add3A_122 = arith.addf %add3A_121, %slice3A_120 : vector<8x1024xf32>
      %slice3A_123 = vector.extract_strided_slice %get3A_58 {offsets = [32, 0], sizes = [8, 1], strides = [1, 1]} : vector<256x1xf32> to vector<8x1xf32>
      %add3A_124 = vector.broadcast %slice3A_123 : vector<8x1xf32> to vector<8x1024xf32>
      %add3A_125 = arith.addf %add3A_122, %add3A_124 : vector<8x1024xf32>
      %add3A_126 = arith.constant 32 : i32
      %add3A_127 = arith.addi %mul3A_60, %add3A_126 : i32
      %add3A_128 = vector.broadcast %add3A_127 : i32 to vector<8x1xi32>
      %add3A_129 = arith.addi %iota3A, %add3A_128 : vector<8x1xi32>
      %lt3A_130 = arith.cmpf olt, %add3A_125, %select_n3A_116 : vector<8x1024xf32>
      %select_n3A_131 = arith.select %lt3A_130, %add3A_125, %select_n3A_116 : vector<8x1024xi1>, vector<8x1024xf32>
      %broadcast_in_dim3A_132 = vector.shape_cast %add3A_129 : vector<8x1xi32> to vector<8x1xi32>
      %broadcast_in_dim3A_133 = vector.broadcast %broadcast_in_dim3A_132 : vector<8x1xi32> to vector<8x1024xi32>
      %select_n3A_134 = arith.select %lt3A_130, %broadcast_in_dim3A_133, %select_n3A_119 : vector<8x1024xi1>, vector<8x1024xi32>
      %slice3A_135 = vector.extract_strided_slice %dot_general3A_53 {offsets = [40, 0], sizes = [8, 1024], strides = [1, 1]} : vector<256x1024xf32> to vector<8x1024xf32>
      %add3A_136 = vector.broadcast %broadcast_in_dim3A : vector<1x1024xf32> to vector<8x1024xf32>
      %add3A_137 = arith.addf %add3A_136, %slice3A_135 : vector<8x1024xf32>
      %slice3A_138 = vector.extract_strided_slice %get3A_58 {offsets = [40, 0], sizes = [8, 1], strides = [1, 1]} : vector<256x1xf32> to vector<8x1xf32>
      %add3A_139 = vector.broadcast %slice3A_138 : vector<8x1xf32> to vector<8x1024xf32>
      %add3A_140 = arith.addf %add3A_137, %add3A_139 : vector<8x1024xf32>
      %add3A_141 = arith.constant 40 : i32
      %add3A_142 = arith.addi %mul3A_60, %add3A_141 : i32
      %add3A_143 = vector.broadcast %add3A_142 : i32 to vector<8x1xi32>
      %add3A_144 = arith.addi %iota3A, %add3A_143 : vector<8x1xi32>
      %lt3A_145 = arith.cmpf olt, %add3A_140, %select_n3A_131 : vector<8x1024xf32>
      %select_n3A_146 = arith.select %lt3A_145, %add3A_140, %select_n3A_131 : vector<8x1024xi1>, vector<8x1024xf32>
      %broadcast_in_dim3A_147 = vector.shape_cast %add3A_144 : vector<8x1xi32> to vector<8x1xi32>
      %broadcast_in_dim3A_148 = vector.broadcast %broadcast_in_dim3A_147 : vector<8x1xi32> to vector<8x1024xi32>
      %select_n3A_149 = arith.select %lt3A_145, %broadcast_in_dim3A_148, %select_n3A_134 : vector<8x1024xi1>, vector<8x1024xi32>
      %slice3A_150 = vector.extract_strided_slice %dot_general3A_53 {offsets = [48, 0], sizes = [8, 1024], strides = [1, 1]} : vector<256x1024xf32> to vector<8x1024xf32>
      %add3A_151 = vector.broadcast %broadcast_in_dim3A : vector<1x1024xf32> to vector<8x1024xf32>
      %add3A_152 = arith.addf %add3A_151, %slice3A_150 : vector<8x1024xf32>
      %slice3A_153 = vector.extract_strided_slice %get3A_58 {offsets = [48, 0], sizes = [8, 1], strides = [1, 1]} : vector<256x1xf32> to vector<8x1xf32>
      %add3A_154 = vector.broadcast %slice3A_153 : vector<8x1xf32> to vector<8x1024xf32>
      %add3A_155 = arith.addf %add3A_152, %add3A_154 : vector<8x1024xf32>
      %add3A_156 = arith.constant 48 : i32
      %add3A_157 = arith.addi %mul3A_60, %add3A_156 : i32
      %add3A_158 = vector.broadcast %add3A_157 : i32 to vector<8x1xi32>
      %add3A_159 = arith.addi %iota3A, %add3A_158 : vector<8x1xi32>
      %lt3A_160 = arith.cmpf olt, %add3A_155, %select_n3A_146 : vector<8x1024xf32>
      %select_n3A_161 = arith.select %lt3A_160, %add3A_155, %select_n3A_146 : vector<8x1024xi1>, vector<8x1024xf32>
      %broadcast_in_dim3A_162 = vector.shape_cast %add3A_159 : vector<8x1xi32> to vector<8x1xi32>
      %broadcast_in_dim3A_163 = vector.broadcast %broadcast_in_dim3A_162 : vector<8x1xi32> to vector<8x1024xi32>
      %select_n3A_164 = arith.select %lt3A_160, %broadcast_in_dim3A_163, %select_n3A_149 : vector<8x1024xi1>, vector<8x1024xi32>
      %slice3A_165 = vector.extract_strided_slice %dot_general3A_53 {offsets = [56, 0], sizes = [8, 1024], strides = [1, 1]} : vector<256x1024xf32> to vector<8x1024xf32>
      %add3A_166 = vector.broadcast %broadcast_in_dim3A : vector<1x1024xf32> to vector<8x1024xf32>
      %add3A_167 = arith.addf %add3A_166, %slice3A_165 : vector<8x1024xf32>
      %slice3A_168 = vector.extract_strided_slice %get3A_58 {offsets = [56, 0], sizes = [8, 1], strides = [1, 1]} : vector<256x1xf32> to vector<8x1xf32>
      %add3A_169 = vector.broadcast %slice3A_168 : vector<8x1xf32> to vector<8x1024xf32>
      %add3A_170 = arith.addf %add3A_167, %add3A_169 : vector<8x1024xf32>
      %add3A_171 = arith.constant 56 : i32
      %add3A_172 = arith.addi %mul3A_60, %add3A_171 : i32
      %add3A_173 = vector.broadcast %add3A_172 : i32 to vector<8x1xi32>
      %add3A_174 = arith.addi %iota3A, %add3A_173 : vector<8x1xi32>
      %lt3A_175 = arith.cmpf olt, %add3A_170, %select_n3A_161 : vector<8x1024xf32>
      %select_n3A_176 = arith.select %lt3A_175, %add3A_170, %select_n3A_161 : vector<8x1024xi1>, vector<8x1024xf32>
      %broadcast_in_dim3A_177 = vector.shape_cast %add3A_174 : vector<8x1xi32> to vector<8x1xi32>
      %broadcast_in_dim3A_178 = vector.broadcast %broadcast_in_dim3A_177 : vector<8x1xi32> to vector<8x1024xi32>
      %select_n3A_179 = arith.select %lt3A_175, %broadcast_in_dim3A_178, %select_n3A_164 : vector<8x1024xi1>, vector<8x1024xi32>
      %slice3A_180 = vector.extract_strided_slice %dot_general3A_53 {offsets = [64, 0], sizes = [8, 1024], strides = [1, 1]} : vector<256x1024xf32> to vector<8x1024xf32>
      %add3A_181 = vector.broadcast %broadcast_in_dim3A : vector<1x1024xf32> to vector<8x1024xf32>
      %add3A_182 = arith.addf %add3A_181, %slice3A_180 : vector<8x1024xf32>
      %slice3A_183 = vector.extract_strided_slice %get3A_58 {offsets = [64, 0], sizes = [8, 1], strides = [1, 1]} : vector<256x1xf32> to vector<8x1xf32>
      %add3A_184 = vector.broadcast %slice3A_183 : vector<8x1xf32> to vector<8x1024xf32>
      %add3A_185 = arith.addf %add3A_182, %add3A_184 : vector<8x1024xf32>
      %add3A_186 = arith.constant 64 : i32
      %add3A_187 = arith.addi %mul3A_60, %add3A_186 : i32
      %add3A_188 = vector.broadcast %add3A_187 : i32 to vector<8x1xi32>
      %add3A_189 = arith.addi %iota3A, %add3A_188 : vector<8x1xi32>
      %lt3A_190 = arith.cmpf olt, %add3A_185, %select_n3A_176 : vector<8x1024xf32>
      %select_n3A_191 = arith.select %lt3A_190, %add3A_185, %select_n3A_176 : vector<8x1024xi1>, vector<8x1024xf32>
      %broadcast_in_dim3A_192 = vector.shape_cast %add3A_189 : vector<8x1xi32> to vector<8x1xi32>
      %broadcast_in_dim3A_193 = vector.broadcast %broadcast_in_dim3A_192 : vector<8x1xi32> to vector<8x1024xi32>
      %select_n3A_194 = arith.select %lt3A_190, %broadcast_in_dim3A_193, %select_n3A_179 : vector<8x1024xi1>, vector<8x1024xi32>
      %slice3A_195 = vector.extract_strided_slice %dot_general3A_53 {offsets = [72, 0], sizes = [8, 1024], strides = [1, 1]} : vector<256x1024xf32> to vector<8x1024xf32>
      %add3A_196 = vector.broadcast %broadcast_in_dim3A : vector<1x1024xf32> to vector<8x1024xf32>
      %add3A_197 = arith.addf %add3A_196, %slice3A_195 : vector<8x1024xf32>
      %slice3A_198 = vector.extract_strided_slice %get3A_58 {offsets = [72, 0], sizes = [8, 1], strides = [1, 1]} : vector<256x1xf32> to vector<8x1xf32>
      %add3A_199 = vector.broadcast %slice3A_198 : vector<8x1xf32> to vector<8x1024xf32>
      %add3A_200 = arith.addf %add3A_197, %add3A_199 : vector<8x1024xf32>
      %add3A_201 = arith.constant 72 : i32
      %add3A_202 = arith.addi %mul3A_60, %add3A_201 : i32
      %add3A_203 = vector.broadcast %add3A_202 : i32 to vector<8x1xi32>
      %add3A_204 = arith.addi %iota3A, %add3A_203 : vector<8x1xi32>
      %lt3A_205 = arith.cmpf olt, %add3A_200, %select_n3A_191 : vector<8x1024xf32>
      %select_n3A_206 = arith.select %lt3A_205, %add3A_200, %select_n3A_191 : vector<8x1024xi1>, vector<8x1024xf32>
      %broadcast_in_dim3A_207 = vector.shape_cast %add3A_204 : vector<8x1xi32> to vector<8x1xi32>
      %broadcast_in_dim3A_208 = vector.broadcast %broadcast_in_dim3A_207 : vector<8x1xi32> to vector<8x1024xi32>
      %select_n3A_209 = arith.select %lt3A_205, %broadcast_in_dim3A_208, %select_n3A_194 : vector<8x1024xi1>, vector<8x1024xi32>
      %slice3A_210 = vector.extract_strided_slice %dot_general3A_53 {offsets = [80, 0], sizes = [8, 1024], strides = [1, 1]} : vector<256x1024xf32> to vector<8x1024xf32>
      %add3A_211 = vector.broadcast %broadcast_in_dim3A : vector<1x1024xf32> to vector<8x1024xf32>
      %add3A_212 = arith.addf %add3A_211, %slice3A_210 : vector<8x1024xf32>
      %slice3A_213 = vector.extract_strided_slice %get3A_58 {offsets = [80, 0], sizes = [8, 1], strides = [1, 1]} : vector<256x1xf32> to vector<8x1xf32>
      %add3A_214 = vector.broadcast %slice3A_213 : vector<8x1xf32> to vector<8x1024xf32>
      %add3A_215 = arith.addf %add3A_212, %add3A_214 : vector<8x1024xf32>
      %add3A_216 = arith.constant 80 : i32
      %add3A_217 = arith.addi %mul3A_60, %add3A_216 : i32
      %add3A_218 = vector.broadcast %add3A_217 : i32 to vector<8x1xi32>
      %add3A_219 = arith.addi %iota3A, %add3A_218 : vector<8x1xi32>
      %lt3A_220 = arith.cmpf olt, %add3A_215, %select_n3A_206 : vector<8x1024xf32>
      %select_n3A_221 = arith.select %lt3A_220, %add3A_215, %select_n3A_206 : vector<8x1024xi1>, vector<8x1024xf32>
      %broadcast_in_dim3A_222 = vector.shape_cast %add3A_219 : vector<8x1xi32> to vector<8x1xi32>
      %broadcast_in_dim3A_223 = vector.broadcast %broadcast_in_dim3A_222 : vector<8x1xi32> to vector<8x1024xi32>
      %select_n3A_224 = arith.select %lt3A_220, %broadcast_in_dim3A_223, %select_n3A_209 : vector<8x1024xi1>, vector<8x1024xi32>
      %slice3A_225 = vector.extract_strided_slice %dot_general3A_53 {offsets = [88, 0], sizes = [8, 1024], strides = [1, 1]} : vector<256x1024xf32> to vector<8x1024xf32>
      %add3A_226 = vector.broadcast %broadcast_in_dim3A : vector<1x1024xf32> to vector<8x1024xf32>
      %add3A_227 = arith.addf %add3A_226, %slice3A_225 : vector<8x1024xf32>
      %slice3A_228 = vector.extract_strided_slice %get3A_58 {offsets = [88, 0], sizes = [8, 1], strides = [1, 1]} : vector<256x1xf32> to vector<8x1xf32>
      %add3A_229 = vector.broadcast %slice3A_228 : vector<8x1xf32> to vector<8x1024xf32>
      %add3A_230 = arith.addf %add3A_227, %add3A_229 : vector<8x1024xf32>
      %add3A_231 = arith.constant 88 : i32
      %add3A_232 = arith.addi %mul3A_60, %add3A_231 : i32
      %add3A_233 = vector.broadcast %add3A_232 : i32 to vector<8x1xi32>
      %add3A_234 = arith.addi %iota3A, %add3A_233 : vector<8x1xi32>
      %lt3A_235 = arith.cmpf olt, %add3A_230, %select_n3A_221 : vector<8x1024xf32>
      %select_n3A_236 = arith.select %lt3A_235, %add3A_230, %select_n3A_221 : vector<8x1024xi1>, vector<8x1024xf32>
      %broadcast_in_dim3A_237 = vector.shape_cast %add3A_234 : vector<8x1xi32> to vector<8x1xi32>
      %broadcast_in_dim3A_238 = vector.broadcast %broadcast_in_dim3A_237 : vector<8x1xi32> to vector<8x1024xi32>
      %select_n3A_239 = arith.select %lt3A_235, %broadcast_in_dim3A_238, %select_n3A_224 : vector<8x1024xi1>, vector<8x1024xi32>
      %slice3A_240 = vector.extract_strided_slice %dot_general3A_53 {offsets = [96, 0], sizes = [8, 1024], strides = [1, 1]} : vector<256x1024xf32> to vector<8x1024xf32>
      %add3A_241 = vector.broadcast %broadcast_in_dim3A : vector<1x1024xf32> to vector<8x1024xf32>
      %add3A_242 = arith.addf %add3A_241, %slice3A_240 : vector<8x1024xf32>
      %slice3A_243 = vector.extract_strided_slice %get3A_58 {offsets = [96, 0], sizes = [8, 1], strides = [1, 1]} : vector<256x1xf32> to vector<8x1xf32>
      %add3A_244 = vector.broadcast %slice3A_243 : vector<8x1xf32> to vector<8x1024xf32>
      %add3A_245 = arith.addf %add3A_242, %add3A_244 : vector<8x1024xf32>
      %add3A_246 = arith.constant 96 : i32
      %add3A_247 = arith.addi %mul3A_60, %add3A_246 : i32
      %add3A_248 = vector.broadcast %add3A_247 : i32 to vector<8x1xi32>
      %add3A_249 = arith.addi %iota3A, %add3A_248 : vector<8x1xi32>
      %lt3A_250 = arith.cmpf olt, %add3A_245, %select_n3A_236 : vector<8x1024xf32>
      %select_n3A_251 = arith.select %lt3A_250, %add3A_245, %select_n3A_236 : vector<8x1024xi1>, vector<8x1024xf32>
      %broadcast_in_dim3A_252 = vector.shape_cast %add3A_249 : vector<8x1xi32> to vector<8x1xi32>
      %broadcast_in_dim3A_253 = vector.broadcast %broadcast_in_dim3A_252 : vector<8x1xi32> to vector<8x1024xi32>
      %select_n3A_254 = arith.select %lt3A_250, %broadcast_in_dim3A_253, %select_n3A_239 : vector<8x1024xi1>, vector<8x1024xi32>
      %slice3A_255 = vector.extract_strided_slice %dot_general3A_53 {offsets = [104, 0], sizes = [8, 1024], strides = [1, 1]} : vector<256x1024xf32> to vector<8x1024xf32>
      %add3A_256 = vector.broadcast %broadcast_in_dim3A : vector<1x1024xf32> to vector<8x1024xf32>
      %add3A_257 = arith.addf %add3A_256, %slice3A_255 : vector<8x1024xf32>
      %slice3A_258 = vector.extract_strided_slice %get3A_58 {offsets = [104, 0], sizes = [8, 1], strides = [1, 1]} : vector<256x1xf32> to vector<8x1xf32>
      %add3A_259 = vector.broadcast %slice3A_258 : vector<8x1xf32> to vector<8x1024xf32>
      %add3A_260 = arith.addf %add3A_257, %add3A_259 : vector<8x1024xf32>
      %add3A_261 = arith.constant 104 : i32
      %add3A_262 = arith.addi %mul3A_60, %add3A_261 : i32
      %add3A_263 = vector.broadcast %add3A_262 : i32 to vector<8x1xi32>
      %add3A_264 = arith.addi %iota3A, %add3A_263 : vector<8x1xi32>
      %lt3A_265 = arith.cmpf olt, %add3A_260, %select_n3A_251 : vector<8x1024xf32>
      %select_n3A_266 = arith.select %lt3A_265, %add3A_260, %select_n3A_251 : vector<8x1024xi1>, vector<8x1024xf32>
      %broadcast_in_dim3A_267 = vector.shape_cast %add3A_264 : vector<8x1xi32> to vector<8x1xi32>
      %broadcast_in_dim3A_268 = vector.broadcast %broadcast_in_dim3A_267 : vector<8x1xi32> to vector<8x1024xi32>
      %select_n3A_269 = arith.select %lt3A_265, %broadcast_in_dim3A_268, %select_n3A_254 : vector<8x1024xi1>, vector<8x1024xi32>
      %slice3A_270 = vector.extract_strided_slice %dot_general3A_53 {offsets = [112, 0], sizes = [8, 1024], strides = [1, 1]} : vector<256x1024xf32> to vector<8x1024xf32>
      %add3A_271 = vector.broadcast %broadcast_in_dim3A : vector<1x1024xf32> to vector<8x1024xf32>
      %add3A_272 = arith.addf %add3A_271, %slice3A_270 : vector<8x1024xf32>
      %slice3A_273 = vector.extract_strided_slice %get3A_58 {offsets = [112, 0], sizes = [8, 1], strides = [1, 1]} : vector<256x1xf32> to vector<8x1xf32>
      %add3A_274 = vector.broadcast %slice3A_273 : vector<8x1xf32> to vector<8x1024xf32>
      %add3A_275 = arith.addf %add3A_272, %add3A_274 : vector<8x1024xf32>
      %add3A_276 = arith.constant 112 : i32
      %add3A_277 = arith.addi %mul3A_60, %add3A_276 : i32
      %add3A_278 = vector.broadcast %add3A_277 : i32 to vector<8x1xi32>
      %add3A_279 = arith.addi %iota3A, %add3A_278 : vector<8x1xi32>
      %lt3A_280 = arith.cmpf olt, %add3A_275, %select_n3A_266 : vector<8x1024xf32>
      %select_n3A_281 = arith.select %lt3A_280, %add3A_275, %select_n3A_266 : vector<8x1024xi1>, vector<8x1024xf32>
      %broadcast_in_dim3A_282 = vector.shape_cast %add3A_279 : vector<8x1xi32> to vector<8x1xi32>
      %broadcast_in_dim3A_283 = vector.broadcast %broadcast_in_dim3A_282 : vector<8x1xi32> to vector<8x1024xi32>
      %select_n3A_284 = arith.select %lt3A_280, %broadcast_in_dim3A_283, %select_n3A_269 : vector<8x1024xi1>, vector<8x1024xi32>
      %slice3A_285 = vector.extract_strided_slice %dot_general3A_53 {offsets = [120, 0], sizes = [8, 1024], strides = [1, 1]} : vector<256x1024xf32> to vector<8x1024xf32>
      %add3A_286 = vector.broadcast %broadcast_in_dim3A : vector<1x1024xf32> to vector<8x1024xf32>
      %add3A_287 = arith.addf %add3A_286, %slice3A_285 : vector<8x1024xf32>
      %slice3A_288 = vector.extract_strided_slice %get3A_58 {offsets = [120, 0], sizes = [8, 1], strides = [1, 1]} : vector<256x1xf32> to vector<8x1xf32>
      %add3A_289 = vector.broadcast %slice3A_288 : vector<8x1xf32> to vector<8x1024xf32>
      %add3A_290 = arith.addf %add3A_287, %add3A_289 : vector<8x1024xf32>
      %add3A_291 = arith.constant 120 : i32
      %add3A_292 = arith.addi %mul3A_60, %add3A_291 : i32
      %add3A_293 = vector.broadcast %add3A_292 : i32 to vector<8x1xi32>
      %add3A_294 = arith.addi %iota3A, %add3A_293 : vector<8x1xi32>
      %lt3A_295 = arith.cmpf olt, %add3A_290, %select_n3A_281 : vector<8x1024xf32>
      %select_n3A_296 = arith.select %lt3A_295, %add3A_290, %select_n3A_281 : vector<8x1024xi1>, vector<8x1024xf32>
      %broadcast_in_dim3A_297 = vector.shape_cast %add3A_294 : vector<8x1xi32> to vector<8x1xi32>
      %broadcast_in_dim3A_298 = vector.broadcast %broadcast_in_dim3A_297 : vector<8x1xi32> to vector<8x1024xi32>
      %select_n3A_299 = arith.select %lt3A_295, %broadcast_in_dim3A_298, %select_n3A_284 : vector<8x1024xi1>, vector<8x1024xi32>
      %slice3A_300 = vector.extract_strided_slice %dot_general3A_53 {offsets = [128, 0], sizes = [8, 1024], strides = [1, 1]} : vector<256x1024xf32> to vector<8x1024xf32>
      %add3A_301 = vector.broadcast %broadcast_in_dim3A : vector<1x1024xf32> to vector<8x1024xf32>
      %add3A_302 = arith.addf %add3A_301, %slice3A_300 : vector<8x1024xf32>
      %slice3A_303 = vector.extract_strided_slice %get3A_58 {offsets = [128, 0], sizes = [8, 1], strides = [1, 1]} : vector<256x1xf32> to vector<8x1xf32>
      %add3A_304 = vector.broadcast %slice3A_303 : vector<8x1xf32> to vector<8x1024xf32>
      %add3A_305 = arith.addf %add3A_302, %add3A_304 : vector<8x1024xf32>
      %add3A_306 = arith.constant 128 : i32
      %add3A_307 = arith.addi %mul3A_60, %add3A_306 : i32
      %add3A_308 = vector.broadcast %add3A_307 : i32 to vector<8x1xi32>
      %add3A_309 = arith.addi %iota3A, %add3A_308 : vector<8x1xi32>
      %lt3A_310 = arith.cmpf olt, %add3A_305, %select_n3A_296 : vector<8x1024xf32>
      %select_n3A_311 = arith.select %lt3A_310, %add3A_305, %select_n3A_296 : vector<8x1024xi1>, vector<8x1024xf32>
      %broadcast_in_dim3A_312 = vector.shape_cast %add3A_309 : vector<8x1xi32> to vector<8x1xi32>
      %broadcast_in_dim3A_313 = vector.broadcast %broadcast_in_dim3A_312 : vector<8x1xi32> to vector<8x1024xi32>
      %select_n3A_314 = arith.select %lt3A_310, %broadcast_in_dim3A_313, %select_n3A_299 : vector<8x1024xi1>, vector<8x1024xi32>
      %slice3A_315 = vector.extract_strided_slice %dot_general3A_53 {offsets = [136, 0], sizes = [8, 1024], strides = [1, 1]} : vector<256x1024xf32> to vector<8x1024xf32>
      %add3A_316 = vector.broadcast %broadcast_in_dim3A : vector<1x1024xf32> to vector<8x1024xf32>
      %add3A_317 = arith.addf %add3A_316, %slice3A_315 : vector<8x1024xf32>
      %slice3A_318 = vector.extract_strided_slice %get3A_58 {offsets = [136, 0], sizes = [8, 1], strides = [1, 1]} : vector<256x1xf32> to vector<8x1xf32>
      %add3A_319 = vector.broadcast %slice3A_318 : vector<8x1xf32> to vector<8x1024xf32>
      %add3A_320 = arith.addf %add3A_317, %add3A_319 : vector<8x1024xf32>
      %add3A_321 = arith.constant 136 : i32
      %add3A_322 = arith.addi %mul3A_60, %add3A_321 : i32
      %add3A_323 = vector.broadcast %add3A_322 : i32 to vector<8x1xi32>
      %add3A_324 = arith.addi %iota3A, %add3A_323 : vector<8x1xi32>
      %lt3A_325 = arith.cmpf olt, %add3A_320, %select_n3A_311 : vector<8x1024xf32>
      %select_n3A_326 = arith.select %lt3A_325, %add3A_320, %select_n3A_311 : vector<8x1024xi1>, vector<8x1024xf32>
      %broadcast_in_dim3A_327 = vector.shape_cast %add3A_324 : vector<8x1xi32> to vector<8x1xi32>
      %broadcast_in_dim3A_328 = vector.broadcast %broadcast_in_dim3A_327 : vector<8x1xi32> to vector<8x1024xi32>
      %select_n3A_329 = arith.select %lt3A_325, %broadcast_in_dim3A_328, %select_n3A_314 : vector<8x1024xi1>, vector<8x1024xi32>
      %slice3A_330 = vector.extract_strided_slice %dot_general3A_53 {offsets = [144, 0], sizes = [8, 1024], strides = [1, 1]} : vector<256x1024xf32> to vector<8x1024xf32>
      %add3A_331 = vector.broadcast %broadcast_in_dim3A : vector<1x1024xf32> to vector<8x1024xf32>
      %add3A_332 = arith.addf %add3A_331, %slice3A_330 : vector<8x1024xf32>
      %slice3A_333 = vector.extract_strided_slice %get3A_58 {offsets = [144, 0], sizes = [8, 1], strides = [1, 1]} : vector<256x1xf32> to vector<8x1xf32>
      %add3A_334 = vector.broadcast %slice3A_333 : vector<8x1xf32> to vector<8x1024xf32>
      %add3A_335 = arith.addf %add3A_332, %add3A_334 : vector<8x1024xf32>
      %add3A_336 = arith.constant 144 : i32
      %add3A_337 = arith.addi %mul3A_60, %add3A_336 : i32
      %add3A_338 = vector.broadcast %add3A_337 : i32 to vector<8x1xi32>
      %add3A_339 = arith.addi %iota3A, %add3A_338 : vector<8x1xi32>
      %lt3A_340 = arith.cmpf olt, %add3A_335, %select_n3A_326 : vector<8x1024xf32>
      %select_n3A_341 = arith.select %lt3A_340, %add3A_335, %select_n3A_326 : vector<8x1024xi1>, vector<8x1024xf32>
      %broadcast_in_dim3A_342 = vector.shape_cast %add3A_339 : vector<8x1xi32> to vector<8x1xi32>
      %broadcast_in_dim3A_343 = vector.broadcast %broadcast_in_dim3A_342 : vector<8x1xi32> to vector<8x1024xi32>
      %select_n3A_344 = arith.select %lt3A_340, %broadcast_in_dim3A_343, %select_n3A_329 : vector<8x1024xi1>, vector<8x1024xi32>
      %slice3A_345 = vector.extract_strided_slice %dot_general3A_53 {offsets = [152, 0], sizes = [8, 1024], strides = [1, 1]} : vector<256x1024xf32> to vector<8x1024xf32>
      %add3A_346 = vector.broadcast %broadcast_in_dim3A : vector<1x1024xf32> to vector<8x1024xf32>
      %add3A_347 = arith.addf %add3A_346, %slice3A_345 : vector<8x1024xf32>
      %slice3A_348 = vector.extract_strided_slice %get3A_58 {offsets = [152, 0], sizes = [8, 1], strides = [1, 1]} : vector<256x1xf32> to vector<8x1xf32>
      %add3A_349 = vector.broadcast %slice3A_348 : vector<8x1xf32> to vector<8x1024xf32>
      %add3A_350 = arith.addf %add3A_347, %add3A_349 : vector<8x1024xf32>
      %add3A_351 = arith.constant 152 : i32
      %add3A_352 = arith.addi %mul3A_60, %add3A_351 : i32
      %add3A_353 = vector.broadcast %add3A_352 : i32 to vector<8x1xi32>
      %add3A_354 = arith.addi %iota3A, %add3A_353 : vector<8x1xi32>
      %lt3A_355 = arith.cmpf olt, %add3A_350, %select_n3A_341 : vector<8x1024xf32>
      %select_n3A_356 = arith.select %lt3A_355, %add3A_350, %select_n3A_341 : vector<8x1024xi1>, vector<8x1024xf32>
      %broadcast_in_dim3A_357 = vector.shape_cast %add3A_354 : vector<8x1xi32> to vector<8x1xi32>
      %broadcast_in_dim3A_358 = vector.broadcast %broadcast_in_dim3A_357 : vector<8x1xi32> to vector<8x1024xi32>
      %select_n3A_359 = arith.select %lt3A_355, %broadcast_in_dim3A_358, %select_n3A_344 : vector<8x1024xi1>, vector<8x1024xi32>
      %slice3A_360 = vector.extract_strided_slice %dot_general3A_53 {offsets = [160, 0], sizes = [8, 1024], strides = [1, 1]} : vector<256x1024xf32> to vector<8x1024xf32>
      %add3A_361 = vector.broadcast %broadcast_in_dim3A : vector<1x1024xf32> to vector<8x1024xf32>
      %add3A_362 = arith.addf %add3A_361, %slice3A_360 : vector<8x1024xf32>
      %slice3A_363 = vector.extract_strided_slice %get3A_58 {offsets = [160, 0], sizes = [8, 1], strides = [1, 1]} : vector<256x1xf32> to vector<8x1xf32>
      %add3A_364 = vector.broadcast %slice3A_363 : vector<8x1xf32> to vector<8x1024xf32>
      %add3A_365 = arith.addf %add3A_362, %add3A_364 : vector<8x1024xf32>
      %add3A_366 = arith.constant 160 : i32
      %add3A_367 = arith.addi %mul3A_60, %add3A_366 : i32
      %add3A_368 = vector.broadcast %add3A_367 : i32 to vector<8x1xi32>
      %add3A_369 = arith.addi %iota3A, %add3A_368 : vector<8x1xi32>
      %lt3A_370 = arith.cmpf olt, %add3A_365, %select_n3A_356 : vector<8x1024xf32>
      %select_n3A_371 = arith.select %lt3A_370, %add3A_365, %select_n3A_356 : vector<8x1024xi1>, vector<8x1024xf32>
      %broadcast_in_dim3A_372 = vector.shape_cast %add3A_369 : vector<8x1xi32> to vector<8x1xi32>
      %broadcast_in_dim3A_373 = vector.broadcast %broadcast_in_dim3A_372 : vector<8x1xi32> to vector<8x1024xi32>
      %select_n3A_374 = arith.select %lt3A_370, %broadcast_in_dim3A_373, %select_n3A_359 : vector<8x1024xi1>, vector<8x1024xi32>
      %slice3A_375 = vector.extract_strided_slice %dot_general3A_53 {offsets = [168, 0], sizes = [8, 1024], strides = [1, 1]} : vector<256x1024xf32> to vector<8x1024xf32>
      %add3A_376 = vector.broadcast %broadcast_in_dim3A : vector<1x1024xf32> to vector<8x1024xf32>
      %add3A_377 = arith.addf %add3A_376, %slice3A_375 : vector<8x1024xf32>
      %slice3A_378 = vector.extract_strided_slice %get3A_58 {offsets = [168, 0], sizes = [8, 1], strides = [1, 1]} : vector<256x1xf32> to vector<8x1xf32>
      %add3A_379 = vector.broadcast %slice3A_378 : vector<8x1xf32> to vector<8x1024xf32>
      %add3A_380 = arith.addf %add3A_377, %add3A_379 : vector<8x1024xf32>
      %add3A_381 = arith.constant 168 : i32
      %add3A_382 = arith.addi %mul3A_60, %add3A_381 : i32
      %add3A_383 = vector.broadcast %add3A_382 : i32 to vector<8x1xi32>
      %add3A_384 = arith.addi %iota3A, %add3A_383 : vector<8x1xi32>
      %lt3A_385 = arith.cmpf olt, %add3A_380, %select_n3A_371 : vector<8x1024xf32>
      %select_n3A_386 = arith.select %lt3A_385, %add3A_380, %select_n3A_371 : vector<8x1024xi1>, vector<8x1024xf32>
      %broadcast_in_dim3A_387 = vector.shape_cast %add3A_384 : vector<8x1xi32> to vector<8x1xi32>
      %broadcast_in_dim3A_388 = vector.broadcast %broadcast_in_dim3A_387 : vector<8x1xi32> to vector<8x1024xi32>
      %select_n3A_389 = arith.select %lt3A_385, %broadcast_in_dim3A_388, %select_n3A_374 : vector<8x1024xi1>, vector<8x1024xi32>
      %slice3A_390 = vector.extract_strided_slice %dot_general3A_53 {offsets = [176, 0], sizes = [8, 1024], strides = [1, 1]} : vector<256x1024xf32> to vector<8x1024xf32>
      %add3A_391 = vector.broadcast %broadcast_in_dim3A : vector<1x1024xf32> to vector<8x1024xf32>
      %add3A_392 = arith.addf %add3A_391, %slice3A_390 : vector<8x1024xf32>
      %slice3A_393 = vector.extract_strided_slice %get3A_58 {offsets = [176, 0], sizes = [8, 1], strides = [1, 1]} : vector<256x1xf32> to vector<8x1xf32>
      %add3A_394 = vector.broadcast %slice3A_393 : vector<8x1xf32> to vector<8x1024xf32>
      %add3A_395 = arith.addf %add3A_392, %add3A_394 : vector<8x1024xf32>
      %add3A_396 = arith.constant 176 : i32
      %add3A_397 = arith.addi %mul3A_60, %add3A_396 : i32
      %add3A_398 = vector.broadcast %add3A_397 : i32 to vector<8x1xi32>
      %add3A_399 = arith.addi %iota3A, %add3A_398 : vector<8x1xi32>
      %lt3A_400 = arith.cmpf olt, %add3A_395, %select_n3A_386 : vector<8x1024xf32>
      %select_n3A_401 = arith.select %lt3A_400, %add3A_395, %select_n3A_386 : vector<8x1024xi1>, vector<8x1024xf32>
      %broadcast_in_dim3A_402 = vector.shape_cast %add3A_399 : vector<8x1xi32> to vector<8x1xi32>
      %broadcast_in_dim3A_403 = vector.broadcast %broadcast_in_dim3A_402 : vector<8x1xi32> to vector<8x1024xi32>
      %select_n3A_404 = arith.select %lt3A_400, %broadcast_in_dim3A_403, %select_n3A_389 : vector<8x1024xi1>, vector<8x1024xi32>
      %slice3A_405 = vector.extract_strided_slice %dot_general3A_53 {offsets = [184, 0], sizes = [8, 1024], strides = [1, 1]} : vector<256x1024xf32> to vector<8x1024xf32>
      %add3A_406 = vector.broadcast %broadcast_in_dim3A : vector<1x1024xf32> to vector<8x1024xf32>
      %add3A_407 = arith.addf %add3A_406, %slice3A_405 : vector<8x1024xf32>
      %slice3A_408 = vector.extract_strided_slice %get3A_58 {offsets = [184, 0], sizes = [8, 1], strides = [1, 1]} : vector<256x1xf32> to vector<8x1xf32>
      %add3A_409 = vector.broadcast %slice3A_408 : vector<8x1xf32> to vector<8x1024xf32>
      %add3A_410 = arith.addf %add3A_407, %add3A_409 : vector<8x1024xf32>
      %add3A_411 = arith.constant 184 : i32
      %add3A_412 = arith.addi %mul3A_60, %add3A_411 : i32
      %add3A_413 = vector.broadcast %add3A_412 : i32 to vector<8x1xi32>
      %add3A_414 = arith.addi %iota3A, %add3A_413 : vector<8x1xi32>
      %lt3A_415 = arith.cmpf olt, %add3A_410, %select_n3A_401 : vector<8x1024xf32>
      %select_n3A_416 = arith.select %lt3A_415, %add3A_410, %select_n3A_401 : vector<8x1024xi1>, vector<8x1024xf32>
      %broadcast_in_dim3A_417 = vector.shape_cast %add3A_414 : vector<8x1xi32> to vector<8x1xi32>
      %broadcast_in_dim3A_418 = vector.broadcast %broadcast_in_dim3A_417 : vector<8x1xi32> to vector<8x1024xi32>
      %select_n3A_419 = arith.select %lt3A_415, %broadcast_in_dim3A_418, %select_n3A_404 : vector<8x1024xi1>, vector<8x1024xi32>
      %slice3A_420 = vector.extract_strided_slice %dot_general3A_53 {offsets = [192, 0], sizes = [8, 1024], strides = [1, 1]} : vector<256x1024xf32> to vector<8x1024xf32>
      %add3A_421 = vector.broadcast %broadcast_in_dim3A : vector<1x1024xf32> to vector<8x1024xf32>
      %add3A_422 = arith.addf %add3A_421, %slice3A_420 : vector<8x1024xf32>
      %slice3A_423 = vector.extract_strided_slice %get3A_58 {offsets = [192, 0], sizes = [8, 1], strides = [1, 1]} : vector<256x1xf32> to vector<8x1xf32>
      %add3A_424 = vector.broadcast %slice3A_423 : vector<8x1xf32> to vector<8x1024xf32>
      %add3A_425 = arith.addf %add3A_422, %add3A_424 : vector<8x1024xf32>
      %add3A_426 = arith.constant 192 : i32
      %add3A_427 = arith.addi %mul3A_60, %add3A_426 : i32
      %add3A_428 = vector.broadcast %add3A_427 : i32 to vector<8x1xi32>
      %add3A_429 = arith.addi %iota3A, %add3A_428 : vector<8x1xi32>
      %lt3A_430 = arith.cmpf olt, %add3A_425, %select_n3A_416 : vector<8x1024xf32>
      %select_n3A_431 = arith.select %lt3A_430, %add3A_425, %select_n3A_416 : vector<8x1024xi1>, vector<8x1024xf32>
      %broadcast_in_dim3A_432 = vector.shape_cast %add3A_429 : vector<8x1xi32> to vector<8x1xi32>
      %broadcast_in_dim3A_433 = vector.broadcast %broadcast_in_dim3A_432 : vector<8x1xi32> to vector<8x1024xi32>
      %select_n3A_434 = arith.select %lt3A_430, %broadcast_in_dim3A_433, %select_n3A_419 : vector<8x1024xi1>, vector<8x1024xi32>
      %slice3A_435 = vector.extract_strided_slice %dot_general3A_53 {offsets = [200, 0], sizes = [8, 1024], strides = [1, 1]} : vector<256x1024xf32> to vector<8x1024xf32>
      %add3A_436 = vector.broadcast %broadcast_in_dim3A : vector<1x1024xf32> to vector<8x1024xf32>
      %add3A_437 = arith.addf %add3A_436, %slice3A_435 : vector<8x1024xf32>
      %slice3A_438 = vector.extract_strided_slice %get3A_58 {offsets = [200, 0], sizes = [8, 1], strides = [1, 1]} : vector<256x1xf32> to vector<8x1xf32>
      %add3A_439 = vector.broadcast %slice3A_438 : vector<8x1xf32> to vector<8x1024xf32>
      %add3A_440 = arith.addf %add3A_437, %add3A_439 : vector<8x1024xf32>
      %add3A_441 = arith.constant 200 : i32
      %add3A_442 = arith.addi %mul3A_60, %add3A_441 : i32
      %add3A_443 = vector.broadcast %add3A_442 : i32 to vector<8x1xi32>
      %add3A_444 = arith.addi %iota3A, %add3A_443 : vector<8x1xi32>
      %lt3A_445 = arith.cmpf olt, %add3A_440, %select_n3A_431 : vector<8x1024xf32>
      %select_n3A_446 = arith.select %lt3A_445, %add3A_440, %select_n3A_431 : vector<8x1024xi1>, vector<8x1024xf32>
      %broadcast_in_dim3A_447 = vector.shape_cast %add3A_444 : vector<8x1xi32> to vector<8x1xi32>
      %broadcast_in_dim3A_448 = vector.broadcast %broadcast_in_dim3A_447 : vector<8x1xi32> to vector<8x1024xi32>
      %select_n3A_449 = arith.select %lt3A_445, %broadcast_in_dim3A_448, %select_n3A_434 : vector<8x1024xi1>, vector<8x1024xi32>
      %slice3A_450 = vector.extract_strided_slice %dot_general3A_53 {offsets = [208, 0], sizes = [8, 1024], strides = [1, 1]} : vector<256x1024xf32> to vector<8x1024xf32>
      %add3A_451 = vector.broadcast %broadcast_in_dim3A : vector<1x1024xf32> to vector<8x1024xf32>
      %add3A_452 = arith.addf %add3A_451, %slice3A_450 : vector<8x1024xf32>
      %slice3A_453 = vector.extract_strided_slice %get3A_58 {offsets = [208, 0], sizes = [8, 1], strides = [1, 1]} : vector<256x1xf32> to vector<8x1xf32>
      %add3A_454 = vector.broadcast %slice3A_453 : vector<8x1xf32> to vector<8x1024xf32>
      %add3A_455 = arith.addf %add3A_452, %add3A_454 : vector<8x1024xf32>
      %add3A_456 = arith.constant 208 : i32
      %add3A_457 = arith.addi %mul3A_60, %add3A_456 : i32
      %add3A_458 = vector.broadcast %add3A_457 : i32 to vector<8x1xi32>
      %add3A_459 = arith.addi %iota3A, %add3A_458 : vector<8x1xi32>
      %lt3A_460 = arith.cmpf olt, %add3A_455, %select_n3A_446 : vector<8x1024xf32>
      %select_n3A_461 = arith.select %lt3A_460, %add3A_455, %select_n3A_446 : vector<8x1024xi1>, vector<8x1024xf32>
      %broadcast_in_dim3A_462 = vector.shape_cast %add3A_459 : vector<8x1xi32> to vector<8x1xi32>
      %broadcast_in_dim3A_463 = vector.broadcast %broadcast_in_dim3A_462 : vector<8x1xi32> to vector<8x1024xi32>
      %select_n3A_464 = arith.select %lt3A_460, %broadcast_in_dim3A_463, %select_n3A_449 : vector<8x1024xi1>, vector<8x1024xi32>
      %slice3A_465 = vector.extract_strided_slice %dot_general3A_53 {offsets = [216, 0], sizes = [8, 1024], strides = [1, 1]} : vector<256x1024xf32> to vector<8x1024xf32>
      %add3A_466 = vector.broadcast %broadcast_in_dim3A : vector<1x1024xf32> to vector<8x1024xf32>
      %add3A_467 = arith.addf %add3A_466, %slice3A_465 : vector<8x1024xf32>
      %slice3A_468 = vector.extract_strided_slice %get3A_58 {offsets = [216, 0], sizes = [8, 1], strides = [1, 1]} : vector<256x1xf32> to vector<8x1xf32>
      %add3A_469 = vector.broadcast %slice3A_468 : vector<8x1xf32> to vector<8x1024xf32>
      %add3A_470 = arith.addf %add3A_467, %add3A_469 : vector<8x1024xf32>
      %add3A_471 = arith.constant 216 : i32
      %add3A_472 = arith.addi %mul3A_60, %add3A_471 : i32
      %add3A_473 = vector.broadcast %add3A_472 : i32 to vector<8x1xi32>
      %add3A_474 = arith.addi %iota3A, %add3A_473 : vector<8x1xi32>
      %lt3A_475 = arith.cmpf olt, %add3A_470, %select_n3A_461 : vector<8x1024xf32>
      %select_n3A_476 = arith.select %lt3A_475, %add3A_470, %select_n3A_461 : vector<8x1024xi1>, vector<8x1024xf32>
      %broadcast_in_dim3A_477 = vector.shape_cast %add3A_474 : vector<8x1xi32> to vector<8x1xi32>
      %broadcast_in_dim3A_478 = vector.broadcast %broadcast_in_dim3A_477 : vector<8x1xi32> to vector<8x1024xi32>
      %select_n3A_479 = arith.select %lt3A_475, %broadcast_in_dim3A_478, %select_n3A_464 : vector<8x1024xi1>, vector<8x1024xi32>
      %slice3A_480 = vector.extract_strided_slice %dot_general3A_53 {offsets = [224, 0], sizes = [8, 1024], strides = [1, 1]} : vector<256x1024xf32> to vector<8x1024xf32>
      %add3A_481 = vector.broadcast %broadcast_in_dim3A : vector<1x1024xf32> to vector<8x1024xf32>
      %add3A_482 = arith.addf %add3A_481, %slice3A_480 : vector<8x1024xf32>
      %slice3A_483 = vector.extract_strided_slice %get3A_58 {offsets = [224, 0], sizes = [8, 1], strides = [1, 1]} : vector<256x1xf32> to vector<8x1xf32>
      %add3A_484 = vector.broadcast %slice3A_483 : vector<8x1xf32> to vector<8x1024xf32>
      %add3A_485 = arith.addf %add3A_482, %add3A_484 : vector<8x1024xf32>
      %add3A_486 = arith.constant 224 : i32
      %add3A_487 = arith.addi %mul3A_60, %add3A_486 : i32
      %add3A_488 = vector.broadcast %add3A_487 : i32 to vector<8x1xi32>
      %add3A_489 = arith.addi %iota3A, %add3A_488 : vector<8x1xi32>
      %lt3A_490 = arith.cmpf olt, %add3A_485, %select_n3A_476 : vector<8x1024xf32>
      %select_n3A_491 = arith.select %lt3A_490, %add3A_485, %select_n3A_476 : vector<8x1024xi1>, vector<8x1024xf32>
      %broadcast_in_dim3A_492 = vector.shape_cast %add3A_489 : vector<8x1xi32> to vector<8x1xi32>
      %broadcast_in_dim3A_493 = vector.broadcast %broadcast_in_dim3A_492 : vector<8x1xi32> to vector<8x1024xi32>
      %select_n3A_494 = arith.select %lt3A_490, %broadcast_in_dim3A_493, %select_n3A_479 : vector<8x1024xi1>, vector<8x1024xi32>
      %slice3A_495 = vector.extract_strided_slice %dot_general3A_53 {offsets = [232, 0], sizes = [8, 1024], strides = [1, 1]} : vector<256x1024xf32> to vector<8x1024xf32>
      %add3A_496 = vector.broadcast %broadcast_in_dim3A : vector<1x1024xf32> to vector<8x1024xf32>
      %add3A_497 = arith.addf %add3A_496, %slice3A_495 : vector<8x1024xf32>
      %slice3A_498 = vector.extract_strided_slice %get3A_58 {offsets = [232, 0], sizes = [8, 1], strides = [1, 1]} : vector<256x1xf32> to vector<8x1xf32>
      %add3A_499 = vector.broadcast %slice3A_498 : vector<8x1xf32> to vector<8x1024xf32>
      %add3A_500 = arith.addf %add3A_497, %add3A_499 : vector<8x1024xf32>
      %add3A_501 = arith.constant 232 : i32
      %add3A_502 = arith.addi %mul3A_60, %add3A_501 : i32
      %add3A_503 = vector.broadcast %add3A_502 : i32 to vector<8x1xi32>
      %add3A_504 = arith.addi %iota3A, %add3A_503 : vector<8x1xi32>
      %lt3A_505 = arith.cmpf olt, %add3A_500, %select_n3A_491 : vector<8x1024xf32>
      %select_n3A_506 = arith.select %lt3A_505, %add3A_500, %select_n3A_491 : vector<8x1024xi1>, vector<8x1024xf32>
      %broadcast_in_dim3A_507 = vector.shape_cast %add3A_504 : vector<8x1xi32> to vector<8x1xi32>
      %broadcast_in_dim3A_508 = vector.broadcast %broadcast_in_dim3A_507 : vector<8x1xi32> to vector<8x1024xi32>
      %select_n3A_509 = arith.select %lt3A_505, %broadcast_in_dim3A_508, %select_n3A_494 : vector<8x1024xi1>, vector<8x1024xi32>
      %slice3A_510 = vector.extract_strided_slice %dot_general3A_53 {offsets = [240, 0], sizes = [8, 1024], strides = [1, 1]} : vector<256x1024xf32> to vector<8x1024xf32>
      %add3A_511 = vector.broadcast %broadcast_in_dim3A : vector<1x1024xf32> to vector<8x1024xf32>
      %add3A_512 = arith.addf %add3A_511, %slice3A_510 : vector<8x1024xf32>
      %slice3A_513 = vector.extract_strided_slice %get3A_58 {offsets = [240, 0], sizes = [8, 1], strides = [1, 1]} : vector<256x1xf32> to vector<8x1xf32>
      %add3A_514 = vector.broadcast %slice3A_513 : vector<8x1xf32> to vector<8x1024xf32>
      %add3A_515 = arith.addf %add3A_512, %add3A_514 : vector<8x1024xf32>
      %add3A_516 = arith.constant 240 : i32
      %add3A_517 = arith.addi %mul3A_60, %add3A_516 : i32
      %add3A_518 = vector.broadcast %add3A_517 : i32 to vector<8x1xi32>
      %add3A_519 = arith.addi %iota3A, %add3A_518 : vector<8x1xi32>
      %lt3A_520 = arith.cmpf olt, %add3A_515, %select_n3A_506 : vector<8x1024xf32>
      %select_n3A_521 = arith.select %lt3A_520, %add3A_515, %select_n3A_506 : vector<8x1024xi1>, vector<8x1024xf32>
      %broadcast_in_dim3A_522 = vector.shape_cast %add3A_519 : vector<8x1xi32> to vector<8x1xi32>
      %broadcast_in_dim3A_523 = vector.broadcast %broadcast_in_dim3A_522 : vector<8x1xi32> to vector<8x1024xi32>
      %select_n3A_524 = arith.select %lt3A_520, %broadcast_in_dim3A_523, %select_n3A_509 : vector<8x1024xi1>, vector<8x1024xi32>
      %slice3A_525 = vector.extract_strided_slice %dot_general3A_53 {offsets = [248, 0], sizes = [8, 1024], strides = [1, 1]} : vector<256x1024xf32> to vector<8x1024xf32>
      %add3A_526 = vector.broadcast %broadcast_in_dim3A : vector<1x1024xf32> to vector<8x1024xf32>
      %add3A_527 = arith.addf %add3A_526, %slice3A_525 : vector<8x1024xf32>
      %slice3A_528 = vector.extract_strided_slice %get3A_58 {offsets = [248, 0], sizes = [8, 1], strides = [1, 1]} : vector<256x1xf32> to vector<8x1xf32>
      %add3A_529 = vector.broadcast %slice3A_528 : vector<8x1xf32> to vector<8x1024xf32>
      %add3A_530 = arith.addf %add3A_527, %add3A_529 : vector<8x1024xf32>
      %add3A_531 = arith.constant 248 : i32
      %add3A_532 = arith.addi %mul3A_60, %add3A_531 : i32
      %add3A_533 = vector.broadcast %add3A_532 : i32 to vector<8x1xi32>
      %add3A_534 = arith.addi %iota3A, %add3A_533 : vector<8x1xi32>
      %lt3A_535 = arith.cmpf olt, %add3A_530, %select_n3A_521 : vector<8x1024xf32>
      %select_n3A_536 = arith.select %lt3A_535, %add3A_530, %select_n3A_521 : vector<8x1024xi1>, vector<8x1024xf32>
      %broadcast_in_dim3A_537 = vector.shape_cast %add3A_534 : vector<8x1xi32> to vector<8x1xi32>
      %broadcast_in_dim3A_538 = vector.broadcast %broadcast_in_dim3A_537 : vector<8x1xi32> to vector<8x1024xi32>
      %select_n3A_539 = arith.select %lt3A_535, %broadcast_in_dim3A_538, %select_n3A_524 : vector<8x1024xi1>, vector<8x1024xi32>
      scf.yield %select_n3A_536, %select_n3A_539 : vector<8x1024xf32>, vector<8x1024xi32>
    }
    %scan3A_13 = arith.constant 8 : i32
    %slice3A = vector.extract_strided_slice %scan3A_12#0 {offsets = [0, 0], sizes = [4, 1024], strides = [1, 1]} : vector<8x1024xf32> to vector<4x1024xf32>
    %slice3A_14 = vector.extract_strided_slice %scan3A_12#0 {offsets = [4, 0], sizes = [4, 1024], strides = [1, 1]} : vector<8x1024xf32> to vector<4x1024xf32>
    %slice3A_15 = vector.extract_strided_slice %scan3A_12#1 {offsets = [0, 0], sizes = [4, 1024], strides = [1, 1]} : vector<8x1024xi32> to vector<4x1024xi32>
    %slice3A_16 = vector.extract_strided_slice %scan3A_12#1 {offsets = [4, 0], sizes = [4, 1024], strides = [1, 1]} : vector<8x1024xi32> to vector<4x1024xi32>
    %lt3A = arith.cmpf olt, %slice3A_14, %slice3A : vector<4x1024xf32>
    %eq3A = arith.cmpf oeq, %slice3A_14, %slice3A : vector<4x1024xf32>
    %lt3A_17 = arith.cmpi slt, %slice3A_16, %slice3A_15 : vector<4x1024xi32>
    %and3A = arith.andi %eq3A, %lt3A_17 : vector<4x1024xi1>
    %or3A = arith.ori %lt3A, %and3A : vector<4x1024xi1>
    %select_n3A = arith.select %or3A, %slice3A_14, %slice3A : vector<4x1024xi1>, vector<4x1024xf32>
    %select_n3A_18 = arith.select %or3A, %slice3A_16, %slice3A_15 : vector<4x1024xi1>, vector<4x1024xi32>
    %slice3A_19 = vector.extract_strided_slice %select_n3A {offsets = [0, 0], sizes = [2, 1024], strides = [1, 1]} : vector<4x1024xf32> to vector<2x1024xf32>
    %slice3A_20 = vector.extract_strided_slice %select_n3A {offsets = [2, 0], sizes = [2, 1024], strides = [1, 1]} : vector<4x1024xf32> to vector<2x1024xf32>
    %slice3A_21 = vector.extract_strided_slice %select_n3A_18 {offsets = [0, 0], sizes = [2, 1024], strides = [1, 1]} : vector<4x1024xi32> to vector<2x1024xi32>
    %slice3A_22 = vector.extract_strided_slice %select_n3A_18 {offsets = [2, 0], sizes = [2, 1024], strides = [1, 1]} : vector<4x1024xi32> to vector<2x1024xi32>
    %lt3A_23 = arith.cmpf olt, %slice3A_20, %slice3A_19 : vector<2x1024xf32>
    %eq3A_24 = arith.cmpf oeq, %slice3A_20, %slice3A_19 : vector<2x1024xf32>
    %lt3A_25 = arith.cmpi slt, %slice3A_22, %slice3A_21 : vector<2x1024xi32>
    %and3A_26 = arith.andi %eq3A_24, %lt3A_25 : vector<2x1024xi1>
    %or3A_27 = arith.ori %lt3A_23, %and3A_26 : vector<2x1024xi1>
    %select_n3A_28 = arith.select %or3A_27, %slice3A_20, %slice3A_19 : vector<2x1024xi1>, vector<2x1024xf32>
    %select_n3A_29 = arith.select %or3A_27, %slice3A_22, %slice3A_21 : vector<2x1024xi1>, vector<2x1024xi32>
    %slice3A_30 = vector.extract_strided_slice %select_n3A_28 {offsets = [0, 0], sizes = [1, 1024], strides = [1, 1]} : vector<2x1024xf32> to vector<1x1024xf32>
    %slice3A_31 = vector.extract_strided_slice %select_n3A_28 {offsets = [1, 0], sizes = [1, 1024], strides = [1, 1]} : vector<2x1024xf32> to vector<1x1024xf32>
    %slice3A_32 = vector.extract_strided_slice %select_n3A_29 {offsets = [0, 0], sizes = [1, 1024], strides = [1, 1]} : vector<2x1024xi32> to vector<1x1024xi32>
    %slice3A_33 = vector.extract_strided_slice %select_n3A_29 {offsets = [1, 0], sizes = [1, 1024], strides = [1, 1]} : vector<2x1024xi32> to vector<1x1024xi32>
    %lt3A_34 = arith.cmpf olt, %slice3A_31, %slice3A_30 : vector<1x1024xf32>
    %eq3A_35 = arith.cmpf oeq, %slice3A_31, %slice3A_30 : vector<1x1024xf32>
    %lt3A_36 = arith.cmpi slt, %slice3A_33, %slice3A_32 : vector<1x1024xi32>
    %and3A_37 = arith.andi %eq3A_35, %lt3A_36 : vector<1x1024xi1>
    %or3A_38 = arith.ori %lt3A_34, %and3A_37 : vector<1x1024xi1>
    %select_n3A_39 = arith.select %or3A_38, %slice3A_33, %slice3A_32 : vector<1x1024xi1>, vector<1x1024xi32>
    %swap3A = arith.constant 0 : index
    %swap3A_40 = arith.constant 0 : index
    %swap3A_41 = arith.constant 0 : index
    %swap3A_42 = vector.load %arg4[%swap3A, %swap3A_40, %swap3A_41] : memref<1x1x1024xi32, #tpu.memory_space<vmem>>, vector<1x1x1024xi32>
    %swap3A_43 = vector.shape_cast %swap3A_42 : vector<1x1x1024xi32> to vector<1x1024xi32>
    %swap3A_44 = vector.shape_cast %select_n3A_39 : vector<1x1024xi32> to vector<1x1x1024xi32>
    tpu.vector_store %arg4[%swap3A, %swap3A_40, %swap3A_41], %swap3A_44 {strides = array<i32>} : memref<1x1x1024xi32, #tpu.memory_space<vmem>>, vector<1x1x1024xi32>,
    return
  }
  func.func @transform_0(%arg0: i32) -> (i32, i32, i32) {
    %c0_i32 = arith.constant 0 : i32
    %c0_i32_0 = arith.constant 0 : i32
    %c0_i32_1 = arith.constant 0 : i32
    return %arg0, %c0_i32, %c0_i32_0 : i32, i32, i32
  }
  func.func @transform_1(%arg0: i32) -> (i32, i32) {
    %c0_i32 = arith.constant 0 : i32
    %c0_i32_0 = arith.constant 0 : i32
    %c0_i32_1 = arith.constant 0 : i32
    return %c0_i32, %c0_i32_0 : i32, i32
  }
  func.func @transform_2(%arg0: i32) -> (i32, i32) {
    %c0_i32 = arith.constant 0 : i32
    %c0_i32_0 = arith.constant 0 : i32
    %c0_i32_1 = arith.constant 0 : i32
    return %c0_i32, %c0_i32_0 : i32, i32
  }
  func.func @transform_3(%arg0: i32) -> (i32, i32, i32) {
    %c0_i32 = arith.constant 0 : i32
    %c0_i32_0 = arith.constant 0 : i32
    %c0_i32_1 = arith.constant 0 : i32
    return %arg0, %c0_i32, %c0_i32_0 : i32, i32, i32
  }
}

module attributes {stable_mosaic.version = 14 : i64} {
  func.func @_finish_body(%arg0: i32, %arg1: memref<1x1024x256xf32, #tpu.memory_space<vmem>>, %arg2: memref<1x256x1024xf32, #tpu.memory_space<vmem>>, %arg3: memref<1x256x1024xf32, #tpu.memory_space<vmem>>, %arg4: memref<1x1xf32, #tpu.memory_space<vmem>>) attributes {dimension_semantics = [#tpu.dimension_semantics<arbitrary>], iteration_bounds = array<i64: 16>, scalar_prefetch = 0 : i64, scratch_operands = 0 : i64, tpu.core_type = #tpu.core_type<tc>, window_params = [{transform_indices = @transform_0, window_bounds = array<i64: 1, 1024, 256>}, {transform_indices = @transform_1, window_bounds = array<i64: 1, 256, 1024>}, {transform_indices = @transform_2, window_bounds = array<i64: 1, 256, 1024>}, {pipeline_mode = #tpu.pipeline_mode<synchronous>, transform_indices = @transform_3, window_bounds = array<i64: 1, 1>}]} {
    %get3A = arith.constant 0 : index
    %get3A_0 = arith.constant 0 : index
    %get3A_1 = arith.constant 0 : index
    %get3A_2 = vector.load %arg1[%get3A, %get3A_0, %get3A_1] : memref<1x1024x256xf32, #tpu.memory_space<vmem>>, vector<1x1024x256xf32>
    %get3A_3 = vector.shape_cast %get3A_2 : vector<1x1024x256xf32> to vector<1024x256xf32>
    %transpose3A = tpu.transpose %get3A_3, [1, 0] : vector<1024x256xf32> -> vector<256x1024xf32>
    %swap3A = arith.constant 0 : index
    %swap3A_4 = arith.constant 0 : index
    %swap3A_5 = arith.constant 0 : index
    %swap3A_6 = vector.load %arg3[%swap3A, %swap3A_4, %swap3A_5] : memref<1x256x1024xf32, #tpu.memory_space<vmem>>, vector<1x256x1024xf32>
    %swap3A_7 = vector.shape_cast %swap3A_6 : vector<1x256x1024xf32> to vector<256x1024xf32>
    %swap3A_8 = vector.shape_cast %transpose3A : vector<256x1024xf32> to vector<1x256x1024xf32>
    tpu.vector_store %arg3[%swap3A, %swap3A_4, %swap3A_5], %swap3A_8 {strides = array<i32>} : memref<1x256x1024xf32, #tpu.memory_space<vmem>>, vector<1x256x1024xf32>,
    %get3A_9 = arith.constant 0 : index
    %get3A_10 = arith.constant 0 : index
    %get3A_11 = arith.constant 0 : index
    %get3A_12 = vector.load %arg2[%get3A_9, %get3A_10, %get3A_11] : memref<1x256x1024xf32, #tpu.memory_space<vmem>>, vector<1x256x1024xf32>
    %get3A_13 = vector.shape_cast %get3A_12 : vector<1x256x1024xf32> to vector<256x1024xf32>
    %sub3A = arith.subf %get3A_13, %transpose3A : vector<256x1024xf32>
    %mul3A = arith.mulf %sub3A, %sub3A : vector<256x1024xf32>
    %reduce_sum3A = vector.shape_cast %mul3A : vector<256x1024xf32> to vector<1x256x1024xf32>
    %reduce_sum3A_14 = arith.constant dense<0.000000e+00> : vector<1xf32>
    %reduce_sum3A_15 = vector.multi_reduction <add>, %reduce_sum3A, %reduce_sum3A_14 [1, 2] : vector<1x256x1024xf32> to vector<1xf32>
    %reduce_sum3A_16 = vector.shape_cast %reduce_sum3A_15 : vector<1xf32> to vector<1x1x1xf32>
    %reduce_sum3A_17 = vector.extract %reduce_sum3A_16[0, 0, 0] : f32 from vector<1x1x1xf32>
    %broadcast_in_dim3A = vector.broadcast %reduce_sum3A_17 : f32 to vector<1x1xf32>
    %eq3A = arith.constant 0 : i32
    %eq3A_18 = arith.cmpi eq, %arg0, %eq3A : i32
    %convert_element_type3A = arith.extui %eq3A_18 : i1 to i32
    %cond3A = arith.constant 0 : i32
    %cond3A_19 = arith.cmpi ne, %convert_element_type3A, %cond3A : i32
    scf.if %cond3A_19 {
      %swap3A_29 = arith.constant 0 : index
      %swap3A_30 = arith.constant 0 : index
      %swap3A_31 = vector.load %arg4[%swap3A_29, %swap3A_30] : memref<1x1xf32, #tpu.memory_space<vmem>>, vector<1x1xf32>
      tpu.vector_store %arg4[%swap3A_29, %swap3A_30], %broadcast_in_dim3A {strides = array<i32>} : memref<1x1xf32, #tpu.memory_space<vmem>>, vector<1x1xf32>,
    } else {
    }
    %gt3A = arith.constant 0 : i32
    %gt3A_20 = arith.cmpi sgt, %arg0, %gt3A : i32
    %convert_element_type3A_21 = arith.extui %gt3A_20 : i1 to i32
    %cond3A_22 = arith.constant 0 : i32
    %cond3A_23 = arith.cmpi ne, %convert_element_type3A_21, %cond3A_22 : i32
    scf.if %cond3A_23 {
      %get3A_29 = arith.constant 0 : index
      %get3A_30 = arith.constant 0 : index
      %get3A_31 = vector.load %arg4[%get3A_29, %get3A_30] : memref<1x1xf32, #tpu.memory_space<vmem>>, vector<1x1xf32>
      %add3A = arith.addf %get3A_31, %broadcast_in_dim3A : vector<1x1xf32>
      %swap3A_32 = arith.constant 0 : index
      %swap3A_33 = arith.constant 0 : index
      %swap3A_34 = vector.load %arg4[%swap3A_32, %swap3A_33] : memref<1x1xf32, #tpu.memory_space<vmem>>, vector<1x1xf32>
      tpu.vector_store %arg4[%swap3A_32, %swap3A_33], %add3A {strides = array<i32>} : memref<1x1xf32, #tpu.memory_space<vmem>>, vector<1x1xf32>,
    } else {
    }
    %eq3A_24 = arith.constant 15 : i32
    %eq3A_25 = arith.cmpi eq, %arg0, %eq3A_24 : i32
    %convert_element_type3A_26 = arith.extui %eq3A_25 : i1 to i32
    %cond3A_27 = arith.constant 0 : i32
    %cond3A_28 = arith.cmpi ne, %convert_element_type3A_26, %cond3A_27 : i32
    scf.if %cond3A_28 {
      %get3A_29 = arith.constant 0 : index
      %get3A_30 = arith.constant 0 : index
      %get3A_31 = vector.load %arg4[%get3A_29, %get3A_30] : memref<1x1xf32, #tpu.memory_space<vmem>>, vector<1x1xf32>
      %mul3A_32 = arith.constant 5.96046448E-8 : f32
      %mul3A_33 = vector.broadcast %mul3A_32 : f32 to vector<1x1xf32>
      %mul3A_34 = arith.mulf %get3A_31, %mul3A_33 : vector<1x1xf32>
      %swap3A_35 = arith.constant 0 : index
      %swap3A_36 = arith.constant 0 : index
      %swap3A_37 = vector.load %arg4[%swap3A_35, %swap3A_36] : memref<1x1xf32, #tpu.memory_space<vmem>>, vector<1x1xf32>
      tpu.vector_store %arg4[%swap3A_35, %swap3A_36], %mul3A_34 {strides = array<i32>} : memref<1x1xf32, #tpu.memory_space<vmem>>, vector<1x1xf32>,
    } else {
    }
    return
  }
  func.func @transform_0(%arg0: i32) -> (i32, i32, i32) {
    %c0_i32 = arith.constant 0 : i32
    %c0_i32_0 = arith.constant 0 : i32
    %c0_i32_1 = arith.constant 0 : i32
    return %arg0, %c0_i32, %c0_i32_0 : i32, i32, i32
  }
  func.func @transform_1(%arg0: i32) -> (i32, i32, i32) {
    %c0_i32 = arith.constant 0 : i32
    %c0_i32_0 = arith.constant 0 : i32
    %c0_i32_1 = arith.constant 0 : i32
    return %arg0, %c0_i32, %c0_i32_0 : i32, i32, i32
  }
  func.func @transform_2(%arg0: i32) -> (i32, i32, i32) {
    %c0_i32 = arith.constant 0 : i32
    %c0_i32_0 = arith.constant 0 : i32
    %c0_i32_1 = arith.constant 0 : i32
    return %arg0, %c0_i32, %c0_i32_0 : i32, i32, i32
  }
  func.func @transform_3(%arg0: i32) -> (i32, i32) {
    %c0_i32 = arith.constant 0 : i32
    %c0_i32_0 = arith.constant 0 : i32
    %c0_i32_1 = arith.constant 0 : i32
    return %c0_i32, %c0_i32_0 : i32, i32
  }
}

</mosaic_0001>

<sc_bundles>
// kernel: kernel.6.cloned.1.call-start
scs
__scs_entry_jumppad:
0x0: {  	(pc) =	sbr.rel $0x88, $3  }
0x1: {  	(tag) =	ssettag $0x0;
	lr =	simm.s32 $0x1  }
0x2: {  	[smem:$0x3F9F] =	sst lr;
	_ =	strace $0xD0000000  }
0x3: {  	_ = 	snop  }
0x4: {  	_ = 	snop  }
0x5: {  	_ = 	snop  }
0x6: {  	_ = 	snop  }
0x7: {  	_ = 	snop  }
__scs_overlays_trampoline_lowered:
0x8: {  	[smem:$0x3FAE] =	sst s0  }
0x9: {  	[smem:$0x3FAF] =	sst s1  }
0xa: {  	[smem:$0x3FB0] =	sst s2  }
0xb: {  	[smem:$0x3FB1] =	sst s3  }
0xc: {  	[smem:$0x3FB2] =	sst s4  }
0xd: {  	[smem:$0x3FB3] =	sst s5  }
0xe: {  	[smem:$0x3FB4] =	sst s6  }
0xf: {  	[smem:$0x3FB5] =	sst s7  }
0x10: {  	[smem:$0x3FB6] =	sst s8  }
0x11: {  	[smem:$0x3FB7] =	sst s9;
	s0 =	simm.s32 @!p0 $0x0  }
0x12: {  	s1 =	sld [smem:$0x3F9D];
	s0 =	simm.s32 @p0 $0x1  }
0x13: {  	[smem:$0x3FB8] =	sst s0;
	s0 =	simm.s32 @!p1 $0x0  }
0x14: {  	s2 =	sld [smem:$0x3F9C];
	s0 =	simm.s32 @p1 $0x1  }
0x15: {  	[smem:$0x3FB9] =	sst s0;
	s0 =	simm.s32 @!p2 $0x0  }
0x16: {  	s3 =	sld [smem:$0x3FDB];
	s0 =	simm.s32 @p2 $0x1  }
0x17: {  	s4 =	simm.s32 $0x1BF5;
	[smem:$0x3FBB] =	sst s0  }
0x18: {  	s0 =	sld [smem:$0x3F9E];
	_ =	swait.ge [sflag:s4], $0x0  }
0x19: {  	s7 =	sld [smem:$0x3F9F]  }
0x1a: {  	s8 =	sadd.s32 $0xFFFFE003, lr  }
0x1b: {  	s9 =	sadd.s32 $0xFFFFFEF7, lr;
	s5 =	simm.s32 $0xFFFFFFFF;
	p2 =	slt.u32 s8, $0xFFFFF086  }
0x1c: {  	p1 =	slt.u32 s9, $0xF7A;
	s5 =	simm.s32 @!p2 $0x0  }
0x1d: {  	s5 =	simm.s32 @p1 $0x1;
	p0 =	seq.s32 s7, s2  }
0x1e: {  	s7 =	smul.u32 @!p0 $0xF7A, s2;
	p2 =	seq.s32 @!p0 s5, $0x0  }
0x1f: {  	s9 =	smul.u32 $0xF7A, s1;
	s8 =	simm.s32 @!p0 $0x1BF5;
	p2 =	por !p2, p0  }
0x20: {  	[sflag:s8] =	ssyncset.s32 @!p0 $0xFFFFF086;
	s6 =	sadd.s32 @!p0 s3, s7;
	s7 =	simm.s32 @!p0 $0x108  }
0x21: {  	s3 =	sadd.s32 s3, s9;
	s6 =	sadd.s32 @!p0 $0x88, s6;
	s7 =	simm.s32 @p2 $0x1082  }
0x22: {  	[simem:s7], [sflag:s8] =	dma.local @!p0 [hbm:s6], $0xF7A  }
0x23: {  	s9 =	sor.u32 $0xD0000000, s2;
	s6 =	simm.s32 $0x108;
	_ =	swait.ge @!p0 [sflag:s8], $0x0  }
0x24: {  	s3 =	sadd.s32 $0x88, s3;
	s6 =	simm.s32 @!p1 $0x1082;
	[sflag:s4] =	ssyncset.s32 $0xFFFFF086  }
0x25: {  	[simem:s6], [sflag:s4] =	dma.local [hbm:s3], $0xF7A  }
0x26: {  	[smem:$0x3F9F] =	sst s1;
	(tag) =	ssettag s2;
	_ =	strace s9  }
0x27: {  	s1 =	sld [smem:$0x3FAF]  }
0x28: {  	s2 =	sld [smem:$0x3FB0]  }
0x29: {  	s4 =	sld [smem:$0x3FB2]  }
0x2a: {  	p0 =	seq.s32 s5, $0x0;
	s5 =	sld [smem:$0x3FB3]  }
0x2b: {  	s6 =	sld [smem:$0x3FB4]  }
0x2c: {  	s7 =	sld [smem:$0x3FB5]  }
0x2d: {  	s3 =	simm.s32 $0x108;
	s8 =	sld [smem:$0x3FB6]  }
0x2e: {  	s3 =	simm.s32 @!p0 $0x1082;
	s9 =	sld [smem:$0x3FB7]  }
0x2f: {  	lr =	sadd.s32 s0, s3;
	s0 =	sld [smem:$0x3FAE]  }
0x30: {  	s3 =	sld [smem:$0x3FB1]  }
0x31: {  	[smem:$0x3FBA] =	sst s10  }
0x32: {  	s10 =	sld [smem:$0x3FB8];
	_ =	sdelay $0x3  }
0x33: {  	p0 =	seq.s32 s10, $0x1;
	s10 =	sld [smem:$0x3FBA];
	_ =	sdelay $0x3  }
0x34: {  	[smem:$0x3FBA] =	sst s10  }
0x35: {  	s10 =	sld [smem:$0x3FB9];
	_ =	sdelay $0x3  }
0x36: {  	p1 =	seq.s32 s10, $0x1;
	s10 =	sld [smem:$0x3FBA];
	_ =	sdelay $0x3  }
0x37: {  	[smem:$0x3FBA] =	sst s10  }
0x38: {  	s10 =	sld [smem:$0x3FBB]  }
0x39: {  	_ = 	snop;
	(pc) =	sbr.ind lr, $3  }
0x3a: {  	_ = 	snop  }
0x3b: {  	_ = 	snop  }
0x3c: {  	p2 =	seq.s32 s10, $0x1;
	s10 =	sld [smem:$0x3FBA]  }
0x3d: {  	_ =	shalt  }
0x3e: {  	_ =	shalt  }
0x3f: {  	_ =	shalt  }
0x40: {  	_ =	shalt  }
0x41: {  	_ =	shalt  }
0x42: {  	_ =	shalt  }
0x43: {  	_ =	shalt  }
0x44: {  	_ =	shalt  }
0x45: {  	_ =	shalt  }
0x46: {  	_ =	shalt  }
0x47: {  	_ =	shalt  }
0x48: {  	_ =	shalt  }
0x49: {  	_ =	shalt  }
0x4a: {  	_ =	shalt  }
0x4b: {  	_ =	shalt  }
0x4c: {  	_ =	shalt  }
0x4d: {  	_ =	shalt  }
0x4e: {  	_ =	shalt  }
0x4f: {  	_ =	shalt  }
0x50: {  	_ =	shalt  }
0x51: {  	_ =	shalt  }
0x52: {  	_ =	shalt  }
0x53: {  	_ =	shalt  }
0x54: {  	_ =	shalt  }
0x55: {  	_ =	shalt  }
0x56: {  	_ =	shalt  }
0x57: {  	_ =	shalt  }
0x58: {  	_ =	shalt  }
0x59: {  	_ =	shalt  }
0x5a: {  	_ =	shalt  }
0x5b: {  	_ =	shalt  }
0x5c: {  	_ =	shalt  }
0x5d: {  	_ =	shalt  }
0x5e: {  	_ =	shalt  }
0x5f: {  	_ =	shalt  }
0x60: {  	_ =	shalt  }
0x61: {  	_ =	shalt  }
0x62: {  	_ =	shalt  }
0x63: {  	_ =	shalt  }
0x64: {  	_ =	shalt  }
0x65: {  	_ =	shalt  }
0x66: {  	_ =	shalt  }
0x67: {  	_ =	shalt  }
0x68: {  	_ =	shalt  }
0x69: {  	_ =	shalt  }
0x6a: {  	_ =	shalt  }
0x6b: {  	_ =	shalt  }
0x6c: {  	_ =	shalt  }
0x6d: {  	_ =	shalt  }
0x6e: {  	_ =	shalt  }
0x6f: {  	_ =	shalt  }
0x70: {  	_ =	shalt  }
0x71: {  	_ =	shalt  }
0x72: {  	_ =	shalt  }
0x73: {  	_ =	shalt  }
0x74: {  	_ =	shalt  }
0x75: {  	_ =	shalt  }
0x76: {  	_ =	shalt  }
0x77: {  	_ =	shalt  }
0x78: {  	_ =	shalt  }
0x79: {  	_ =	shalt  }
0x7a: {  	_ =	shalt  }
0x7b: {  	_ =	shalt  }
0x7c: {  	_ =	shalt  }
0x7d: {  	_ =	shalt  }
0x7e: {  	_ =	shalt  }
0x7f: {  	_ =	shalt  }
0x80: {  	_ =	shalt  }
0x81: {  	_ =	shalt  }
0x82: {  	_ =	shalt  }
0x83: {  	_ =	shalt  }
0x84: {  	_ =	shalt  }
0x85: {  	_ =	shalt  }
0x86: {  	_ =	shalt  }
0x87: {  	_ =	shalt  }
.Lfunc_end0:
.L_simem_size_0:
called_computation_lowered:
.L_overlay_start_0:
0x88: {  	s2 =	sld [smem:$0x3FD9]  }
0x89: {  	s3 =	sld [smem:$0x3FFE];
	_ =	sdelay $0x1  }
0x8a: {  	s1 =	srdreg.scid  }
0x8b: {  	s0 =	sand.u32 $0x1, s1  }
0x8c: {  	s16 =	sshll.u32 s0, $0xA;
	s2 =	sadd.s32 s3, s2  }
0x8d: {  	s2 =	sadd.s32 s2, s16  }
0x8e: {  	[smem:$0x3FC6] =	sst s2  }
0x8f: {  	_ = 	snop  }
0x90: {  	(tm) =	ssettm $0x1  }
0x91: {  	s17 =	sld [smem:$0x3FFB];
	_ =	sdelay $0x3  }
0x92: {  	_ =	strace s17  }
0x93: {  	s2 =	sld [smem:$0x3FFC];
	_ =	sdelay $0x3  }
0x94: {  	_ =	strace s2  }
0x95: {  	s2 =	sld [smem:$0x3FFD];
	_ =	sdelay $0x3  }
0x96: {  	_ =	strace s2  }
0x97: {  	_ =	strace $0x8FFFFFFF  }
0x98: {  	s18 =	sld [smem:$0x3FDB];
	_ =	sdelay $0x1  }
0x99: {  	s19 =	simm.s32 $_scs_section_size  }
0x9a: {  	s4 =	simm.s32 $_size__tile_overlayer_lowered;
	s5 =	simm.s32 $_tile_overlayer_lowered  }
0x9b: {  	s22 =	simm.s32 $0x1BFF;
	s21 =	sshll.u32 s5, $0x1;
	s2 =	sadd.s32 s19, s18  }
0x9c: {  	s6 =	simm.s32 $0x0;
	s20 =	sshll.u32 s4, $0x1;
	s4 =	sadd.s32 s21, s2  }
0x9d: {  	[timem:s6], [sflag:s22] =	dma.local [hbm:s4], s20  }
0x9e: {  	_ =	swait.ge [sflag:s22], s20  }
0x9f: {  	s3 =	ssub.s32 $0x0, s20;
	[sflag:s22] =	ssyncset.done $0x0  }
0xa0: {  	[sflag:s22] =	ssyncadd.s32 s3;
	_ =	sdelay $0x1  }
0xa1: {  	s23 =	simm.s32 $0x1B8B  }
0xa2: {  	_ =	swait.ge [sflag:s23], $0x1  }
0xa3: {  	[sflag:s23] =	ssyncset.done $0x0  }
0xa4: {  	s25 =	simm.s32 $0x1B8E;
	s24 =	sld [smem:$0x3FFE];
	[sflag:s23] =	ssyncadd.s32 $0xFFFFFFFF  }
0xa5: {  	s26 =	simm.s32 $execute0_lowered;
	[smem:$0x3FD2] =	sst s25  }
0xa6: {  	s4 =	sshll.u32 s26, $0x1;
	_ =	strace $0x80000046;
	[dreg:$0x1] =	wrdreg $0xFFFFFFFF  }
0xa7: {  	s28 =	simm.s32 $_size_execute0_lowered;
	s2 =	sadd.s32 s2, s4;
	[dreg:$0x0] =	wrdreg $0x0  }
0xa8: {  	s4 =	sshll.u32 s28, $0x1;
	[dreg:$0x2] =	wrdreg s2  }
0xa9: {  	[dreg:$0x3] =	wrdreg s4  }
0xaa: {  	[dreg:$0x4] =	wrdreg $0xC0  }
0xab: {  	_ =	task [dreg:s6], $0x5FFFF  }
0xac: {  	[dreg:$0x1] =	wrdreg $0xFFFFFFFF  }
0xad: {  	[dreg:$0x0] =	wrdreg $0x60  }
0xae: {  	[dreg:$0x2] =	wrdreg s24  }
0xaf: {  	[dreg:$0x3] =	wrdreg $0x9  }
0xb0: {  	_ =	task.clear_ibuf [dreg:s6], $0x4FFFF;
	_ =	strace $0x90000046  }
0xb1: {  	s29 =	simm.s32 $0x9;
	_ =	strace $0x80000048  }
0xb2: {  	_ =	swait.ge [sflag:s29], $0x1  }
0xb3: {  	[sflag:s29] =	ssyncadd.s32 $0xFFFFFFFF  }
0xb4: {  	_ =	strace $0x90000048  }
0xb5: {  	_ =	sfence  }
0xb6: {  	s30 =	sld [smem:$0x0];
	_ =	sdelay $0x2  }
0xb7: {  	s31 =	sshll.u32 s1, $0xD;
	s1 =	sshrl.u32 s1, $0x2  }
0xb8: {  	s3 =	sand.u32 $0x4000, s31;
	s1 =	sadd.s32 s1, s30  }
0xb9: {  	s0 =	sor.u32 s3, s0;
	s1 =	sshll.u32 s1, $0x11  }
0xba: {  	s0 =	sor.u32 s1, s0  }
0xbb: {  	s0 =	sadd.s32 $0x8F2B, s0  }
0xbc: {  	[sflag:s0] =	ssyncadd.remote.s32 $0x1  }
0xbd: {  	_ =	sfence.sel $0xFFFF  }
0xbe: {  	[dreg:$0x0] =	wrdreg $0xFFFFFFFF;
	(pc) =	sbr.abs _section_cstart, $3  }
0xbf: {  	[dreg:$0x1] =	wrdreg $0xFFFFFFFF  }
0xc0: {  	_ =	task.clear_ibuf [dreg:s6], $0x2FFFF;
	_ =	strace $0x9FFFFFFF  }
0xc1: {  	(tm) =	ssettm $0x7FFFFFFF  }
tec
execute0_lowered:
.L_overlay_start_1:
0x0: {  	(tag) =	ssettag $0x1  }
0x1: {  	s4 =	rddreg [dreg:$0x0]  }
0x2: {  	s0 =	rddreg [dreg:$0x1];
	s2 =	simm.s32 $0x0;
	s3 =	srdreg.scid  }
0x3: {  	s1 =	stileid.u32;
	s10 =	simm.s32 $0x1080;
	s11 =	simm.s32 $0x1880  }
0x4: {  	s12 =	simm.s32 $0x2080;
	s13 =	simm.s32 $0x2880;
	s14 =	simm.s32 $0x3080  }
0x5: {  	s15 =	simm.s32 $0x3880;
	s16 =	simm.s32 $0x4080;
	s17 =	simm.s32 $0x4880  }
0x6: {  	s18 =	simm.s32 $0x5080;
	s19 =	simm.s32 $0x5880;
	s20 =	simm.s32 $0x6080  }
0x7: {  	s21 =	simm.s32 $0x6880;
	s22 =	simm.s32 $0x7080;
	s23 =	simm.s32 $0x7880  }
0x8: {  	s24 =	simm.s32 $0x1;
	s25 =	simm.s32 $0x0;
	[smem:$0x7FF] =	sst s2  }
0x9: {  	s5 =	sand.u32 $0x1, s3;
	s6 =	sshll.u32 s1, $0xA;
	s3 =	sadd.s32 $0xC00, s4  }
0xa: {  	s8 =	sshll.u32 s1, $0xF;
	_ =	strace $0x80000047;
	s7 =	sshll.u32 s5, $0x9  }
0xb: {  	s31 =	ssub.s32 $0x2, s5;
	s8 =	sadd.s32 s8, s4;
	s5 =	sshll.u32 s5, $0xE  }
0xc: {  	s6 =	sor.u32 s7, s6;
	s9 =	sshrl.u32 s31, $0x1;
	s5 =	sadd.s32 s5, s8  }
0xd: {  	v2 =	vlaneseq.u32;
	s8 =	simm.s32 $0x80;
	s6 =	sshrl.u32 s6, $0x3;
	s7 =	ssub.s32 s31, s9  }
0xe: {  	vm0 =	vmmov $0xffff;
	v1 =	vshrl.u32 v2, $0x3;
	s5 =	sadd.s32 $0x11400, s5;
	s9 =	simm.s32 $0x880;
	s6 =	sadd.s32 s6, s4  }
0xf: {  	v0 =	vand.u32 $0x7, v2;
	v2 =	vor.u32 $0x8, v2;
	v1 =	vmul.u32 $0x8, v1;
	s4 =	smax.u32 s7, $0x1;
	s7 =	simm.s32 $0x2;
	s6 =	sadd.s32 $0x10C00, s6  }
.LBB2_1:
0x10: {  	s26 =	smov.u32 s5;
	s28 =	simm.s32 $0x0  }
.LBB2_2:
0x11: {  	s29 =	sadd.s32 s28, s6  }
0x12: {  	[tilespmem:s2], [sflag:$0x2] =	stream.linear.gather [hbm4b:s29+s2], $0x80, $0x38;
	[tilespmem:$0x8080] =	vst v63  }
0x13: {  	_ =	swait.ge [sflag:s7], $0x80  }
0x14: {  	[sflag:s7] =	ssyncset.done $0x0  }
0x15: {  	[sflag:s7] =	ssyncadd.s32 $0xFFFFFF80  }
0x16: {  	v3 =	vld [tilespmem:$0x0];
	_ =	sdelay $0x4  }
0x17: {  	v4 =	vshll.u32 v3, $0x1  }
0x18: {  	v3 =	vand.u32 $0x7, v3;
	v4 =	vand.u32 $0xFFFFFFF0, v4  }
0x19: {  	v3 =	vor.u32 v3, v4  }
0x1a: {  	v4 =	vperm.xlane v3, v0;
	_ =	sdelay $0x1  }
0x1b: {  	v3 =	vperm.xlane v3, v2;
	v4 =	vadd.s32 v1, v4;
	_ =	sdelay $0x1  }
0x1c: {  	v3 =	vadd.s32 v1, v3;
	_ =	sdelay $0x2  }
0x1d: {  	[tilespmem:s8], [sflag:$0x1] =	stream.indirect_vreg.gather [hbm4b:s3+s2], $0x80, v4, vm0, $0xb8;
	[tilespmem:$0x8080] =	vst v63  }
0x1e: {  	_ = 	snop  }
0x1f: {  	[tilespmem:s9], [sflag:$0x1] =	stream.indirect_vreg.gather [hbm4b:s3+s2], $0x80, v3, vm0, $0xb8;
	[tilespmem:$0x8080] =	vst v63  }
0x20: {  	v3 =	vld [tilespmem:$0x10];
	_ =	sdelay $0x4  }
0x21: {  	v57 =	vshll.u32 v3, $0x1  }
0x22: {  	v3 =	vand.u32 $0x7, v3;
	v4 =	vand.u32 $0xFFFFFFF0, v57  }
0x23: {  	v3 =	vor.u32 v3, v4  }
0x24: {  	v4 =	vperm.xlane v3, v0;
	_ =	sdelay $0x1  }
0x25: {  	v3 =	vperm.xlane v3, v2;
	v4 =	vadd.s32 v1, v4;
	_ =	sdelay $0x1  }
0x26: {  	v3 =	vadd.s32 v1, v3;
	_ =	sdelay $0x2  }
0x27: {  	[tilespmem:s10], [sflag:$0x1] =	stream.indirect_vreg.gather [hbm4b:s3+s2], $0x80, v4, vm0, $0xb8;
	[tilespmem:$0x8080] =	vst v63  }
0x28: {  	_ = 	snop  }
0x29: {  	[tilespmem:s11], [sflag:$0x1] =	stream.indirect_vreg.gather [hbm4b:s3+s2], $0x80, v3, vm0, $0xb8;
	[tilespmem:$0x8080] =	vst v63  }
0x2a: {  	v3 =	vld [tilespmem:$0x20];
	_ =	sdelay $0x4  }
0x2b: {  	v58 =	vshll.u32 v3, $0x1  }
0x2c: {  	v3 =	vand.u32 $0x7, v3;
	v4 =	vand.u32 $0xFFFFFFF0, v58  }
0x2d: {  	v3 =	vor.u32 v3, v4  }
0x2e: {  	v4 =	vperm.xlane v3, v0;
	_ =	sdelay $0x1  }
0x2f: {  	v3 =	vperm.xlane v3, v2;
	v4 =	vadd.s32 v1, v4;
	_ =	sdelay $0x1  }
0x30: {  	v3 =	vadd.s32 v1, v3;
	_ =	sdelay $0x2  }
0x31: {  	[tilespmem:s12], [sflag:$0x1] =	stream.indirect_vreg.gather [hbm4b:s3+s2], $0x80, v4, vm0, $0xb8;
	[tilespmem:$0x8080] =	vst v63  }
0x32: {  	_ = 	snop  }
0x33: {  	[tilespmem:s13], [sflag:$0x1] =	stream.indirect_vreg.gather [hbm4b:s3+s2], $0x80, v3, vm0, $0xb8;
	[tilespmem:$0x8080] =	vst v63  }
0x34: {  	v3 =	vld [tilespmem:$0x30];
	_ =	sdelay $0x4  }
0x35: {  	v59 =	vshll.u32 v3, $0x1  }
0x36: {  	v3 =	vand.u32 $0x7, v3;
	v4 =	vand.u32 $0xFFFFFFF0, v59  }
0x37: {  	v3 =	vor.u32 v3, v4  }
0x38: {  	v4 =	vperm.xlane v3, v0;
	_ =	sdelay $0x1  }
0x39: {  	v3 =	vperm.xlane v3, v2;
	v4 =	vadd.s32 v1, v4;
	_ =	sdelay $0x1  }
0x3a: {  	v3 =	vadd.s32 v1, v3;
	_ =	sdelay $0x2  }
0x3b: {  	[tilespmem:s14], [sflag:$0x1] =	stream.indirect_vreg.gather [hbm4b:s3+s2], $0x80, v4, vm0, $0xb8;
	[tilespmem:$0x8080] =	vst v63  }
0x3c: {  	_ = 	snop  }
0x3d: {  	[tilespmem:s15], [sflag:$0x1] =	stream.indirect_vreg.gather [hbm4b:s3+s2], $0x80, v3, vm0, $0xb8;
	[tilespmem:$0x8080] =	vst v63  }
0x3e: {  	v3 =	vld [tilespmem:$0x40];
	_ =	sdelay $0x4  }
0x3f: {  	v60 =	vshll.u32 v3, $0x1  }
0x40: {  	v3 =	vand.u32 $0x7, v3;
	v4 =	vand.u32 $0xFFFFFFF0, v60  }
0x41: {  	v3 =	vor.u32 v3, v4  }
0x42: {  	v4 =	vperm.xlane v3, v0;
	_ =	sdelay $0x1  }
0x43: {  	v3 =	vperm.xlane v3, v2;
	v4 =	vadd.s32 v1, v4;
	_ =	sdelay $0x1  }
0x44: {  	v3 =	vadd.s32 v1, v3;
	_ =	sdelay $0x2  }
0x45: {  	[tilespmem:s16], [sflag:$0x1] =	stream.indirect_vreg.gather [hbm4b:s3+s2], $0x80, v4, vm0, $0xb8;
	[tilespmem:$0x8080] =	vst v63  }
0x46: {  	_ = 	snop  }
0x47: {  	[tilespmem:s17], [sflag:$0x1] =	stream.indirect_vreg.gather [hbm4b:s3+s2], $0x80, v3, vm0, $0xb8;
	[tilespmem:$0x8080] =	vst v63  }
0x48: {  	v3 =	vld [tilespmem:$0x50];
	_ =	sdelay $0x4  }
0x49: {  	v61 =	vshll.u32 v3, $0x1  }
0x4a: {  	v3 =	vand.u32 $0x7, v3;
	v4 =	vand.u32 $0xFFFFFFF0, v61  }
0x4b: {  	v3 =	vor.u32 v3, v4  }
0x4c: {  	v4 =	vperm.xlane v3, v0;
	_ =	sdelay $0x1  }
0x4d: {  	v3 =	vperm.xlane v3, v2;
	v4 =	vadd.s32 v1, v4;
	_ =	sdelay $0x1  }
0x4e: {  	v3 =	vadd.s32 v1, v3;
	_ =	sdelay $0x2  }
0x4f: {  	[tilespmem:s18], [sflag:$0x1] =	stream.indirect_vreg.gather [hbm4b:s3+s2], $0x80, v4, vm0, $0xb8;
	[tilespmem:$0x8080] =	vst v63  }
0x50: {  	_ = 	snop  }
0x51: {  	[tilespmem:s19], [sflag:$0x1] =	stream.indirect_vreg.gather [hbm4b:s3+s2], $0x80, v3, vm0, $0xb8;
	[tilespmem:$0x8080] =	vst v63  }
0x52: {  	v3 =	vld [tilespmem:$0x60];
	_ =	sdelay $0x4  }
0x53: {  	v62 =	vshll.u32 v3, $0x1  }
0x54: {  	v3 =	vand.u32 $0x7, v3;
	v4 =	vand.u32 $0xFFFFFFF0, v62  }
0x55: {  	v3 =	vor.u32 v3, v4  }
0x56: {  	v4 =	vperm.xlane v3, v0;
	_ =	sdelay $0x1  }
0x57: {  	v3 =	vperm.xlane v3, v2;
	v4 =	vadd.s32 v1, v4;
	_ =	sdelay $0x1  }
0x58: {  	v3 =	vadd.s32 v1, v3;
	_ =	sdelay $0x2  }
0x59: {  	[tilespmem:s20], [sflag:$0x1] =	stream.indirect_vreg.gather [hbm4b:s3+s2], $0x80, v4, vm0, $0xb8;
	[tilespmem:$0x8080] =	vst v63  }
0x5a: {  	_ = 	snop  }
0x5b: {  	[tilespmem:s21], [sflag:$0x1] =	stream.indirect_vreg.gather [hbm4b:s3+s2], $0x80, v3, vm0, $0xb8;
	[tilespmem:$0x8080] =	vst v63  }
0x5c: {  	v3 =	vld [tilespmem:$0x70];
	_ =	sdelay $0x4  }
0x5d: {  	v63 =	vshll.u32 v3, $0x1  }
0x5e: {  	v3 =	vand.u32 $0x7, v3;
	v4 =	vand.u32 $0xFFFFFFF0, v63  }
0x5f: {  	v3 =	vor.u32 v3, v4  }
0x60: {  	v4 =	vperm.xlane v3, v0;
	_ =	sdelay $0x1  }
0x61: {  	v3 =	vperm.xlane v3, v2;
	v4 =	vadd.s32 v1, v4;
	_ =	sdelay $0x1  }
0x62: {  	v3 =	vadd.s32 v1, v3;
	_ =	sdelay $0x2  }
0x63: {  	[tilespmem:s22], [sflag:$0x1] =	stream.indirect_vreg.gather [hbm4b:s3+s2], $0x80, v4, vm0, $0xb8;
	[tilespmem:$0x8080] =	vst v63  }
0x64: {  	_ = 	snop  }
0x65: {  	[tilespmem:s23], [sflag:$0x1] =	stream.indirect_vreg.gather [hbm4b:s3+s2], $0x80, v3, vm0, $0xb8;
	[tilespmem:$0x8080] =	vst v63  }
0x66: {  	_ =	swait.ge [sflag:s24], $0x8000  }
0x67: {  	p0 =	sne.s32 s28, $0x30;
	[sflag:s24] =	ssyncset.done $0x0  }
.Ltmp0:
0x68: {  	[sflag:s24] =	ssyncadd.s32 $0xFFFF8000;
	(pc) =	sbr.rel @p0 .LBB2_2-.Ltmp0, $4  }
0x69: {  	[hbm4b:s26+s2] =	stream.linear.scatter [tilespmem:s8], [sflag:$0x2], $0x8000, $0x38;
	[tilespmem:$0x8080] =	vst v63  }
0x6a: {  	_ =	swait.ge [sflag:s7], $0x8000  }
0x6b: {  	[sflag:s7] =	ssyncset.done $0x0  }
0x6c: {  	s28 =	sadd.s32 $0x10, s28;
	s26 =	sadd.s32 $0x1000, s26;
	[sflag:s7] =	ssyncadd.s32 $0xFFFF8000  }
0x6d: {  	s25 =	sadd.s32 $0x1, s25  }
0x6e: {  	p0 =	sne.s32 s25, s4  }
.Ltmp1:
0x6f: {  	_ = 	snop;
	(pc) =	sbr.rel @p0 .LBB2_1-.Ltmp1, $1  }
0x70: {  	_ =	sdelay $0x3  }
0x71: {  	_ =	sfence.sel $0x180000  }
0x72: {  	[bflag:$0x0] =	sbarrier.arrive $0xFFFF  }
0x73: {  	p0 =	sne.s32 s1, $0x0;
	_ =	strace $0x90000047  }
0x74: {  	s0 =	sadd.s32 @!p0 $0x100000, s0;
	[bflag:$0x2] =	sbarrier.arrive $0xFFFF  }
0x75: {  	[sflag:s0] =	ssyncadd.tile.s32 @!p0 $0x1;
	_ =	shalt  }
.Lfunc_end2:
_tile_overlayer_lowered:
.L_overlay_start_2:
0x76: {  	(tag) =	ssettag $0x2  }
0x77: {  	s0 =	rddreg [dreg:$0x0];
	s2 =	stileid.u32  }
0x78: {  	s1 =	rddreg [dreg:$0x1];
	p0 =	sne.s32 s2, $0x0  }
0x79: {  	s3 =	rddreg [dreg:$0x2];
	[bflag:$0x3] =	sbarrier.arrive $0xFFFF;
	s2 =	simm.s32 @!p0 $0x1C02  }
0x7a: {  	[timem:s3], [sflag:s2] =	dma.local @!p0 [hbm:s0], s1  }
0x7b: {  	s0 =	simm.s32 @!p0 $0x2  }
0x7c: {  	_ =	swait.ge @!p0 [sflag:s0], s1  }
0x7d: {  	s1 =	ssub.s32 @!p0 $0x0, s1;
	[sflag:s0] =	ssyncset.done @!p0 $0x0  }
0x7e: {  	[sflag:s0] =	ssyncadd.s32 @!p0 s1  }
0x7f: {  	[bflag:$0x3] =	sbarrier.arrive $0xFFFF  }
0x80: {  	_ =	shalt  }

</sc_bundles>
